<compile_context>
chip_gen: v7x
topology: tpu7x:2x2x1
jax: 0.10.2.dev20260603
libtpu: 0.0.44.dev20260713+nightly
codegen_flags: <defaults>
</compile_context>

<pallas_src>
import functools

import jax
import jax.numpy as jnp
from jax import lax
from jax.experimental import pallas as pl
from jax.experimental.pallas import tpu as pltpu
from jax.experimental.pallas import tpu_sc as plsc

E = 64
K = 8
L = 16
NW = 32


def _logits_body(wt_ref, x_ref, outt_ref):
    outt_ref[0] = lax.dot_general(
        wt_ref[...], x_ref[...],
        dimension_numbers=(((1,), (1,)), ((), ())),
        preferred_element_type=jnp.float32,
    )


def _router_logits_t(x2d, wt, b, s):
    t, h = x2d.shape
    bt = 1024
    nblk = t // bt
    bpb = s // bt
    return pl.pallas_call(
        _logits_body,
        grid=(nblk,),
        in_specs=[
            pl.BlockSpec((E, h), lambda i: (0, 0)),
            pl.BlockSpec((bt, h), lambda i: (i, 0)),
        ],
        out_specs=pl.BlockSpec((1, E, bt), lambda i: (i // bpb, 0, i % bpb)),
        out_shape=jax.ShapeDtypeStruct((b, E, s), jnp.float32),
    )(wt, x2d)


def _make_topk_sc(b, s, interpret=False):
    nc, ns = 2, 16
    t = b * s
    tpw = t // NW
    ncol = tpw // L
    wpb = s // tpw

    mesh = plsc.VectorSubcoreMesh(core_axis_name="c", subcore_axis_name="s",
                                  num_cores=nc, num_subcores=ns)

    @functools.partial(
        pl.kernel,
        out_type=(
            jax.ShapeDtypeStruct((b, K, s), jnp.float32),
            jax.ShapeDtypeStruct((b, K, s), jnp.int32),
        ),
        mesh=mesh,
        scratch_types=[
            pltpu.VMEM((E, tpw), jnp.float32),
            pltpu.VMEM((K, tpw), jnp.float32),
            pltpu.VMEM((K, tpw), jnp.int32),
        ],
        compiler_params=pltpu.CompilerParams(needs_layout_passes=False),
        interpret=interpret,
    )
    def topk(logitst_hbm, w_hbm, i_hbm, loc, wloc, iloc):
        wid = lax.axis_index("s") * nc + lax.axis_index("c")
        bi = wid // wpb
        off = (wid % wpb) * tpw
        pltpu.sync_copy(logitst_hbm.at[bi, :, pl.ds(off, tpw)], loc)

        neg_inf = jnp.full((L,), -jnp.inf, jnp.float32)
        zero_i = jnp.zeros((L,), jnp.int32)
        ncc = 2

        def col_pair(cp, _):
            c0 = cp * ncc

            def body(e, carry):
                vs = [list(v) for v in carry[0]]
                ix = [list(i) for i in carry[1]]
                eidx = jnp.full((L,), e, jnp.int32)
                for j in range(ncc):
                    cur_v = loc[e, pl.ds((c0 + j) * L, L)]
                    cur_i = eidx
                    for kk in range(K):
                        m = cur_v > vs[j][kk]
                        nv = jnp.maximum(cur_v, vs[j][kk])
                        lo = jnp.minimum(cur_v, vs[j][kk])
                        ni = jnp.where(m, cur_i, ix[j][kk])
                        cur_i = jnp.where(m, ix[j][kk], cur_i)
                        vs[j][kk] = nv
                        ix[j][kk] = ni
                        cur_v = lo
                    del cur_v, cur_i
                return (tuple(tuple(v) for v in vs),
                        tuple(tuple(i) for i in ix))

            init = (tuple(tuple(neg_inf for _ in range(K))
                          for _ in range(ncc)),
                    tuple(tuple(zero_i for _ in range(K))
                          for _ in range(ncc)))
            vss, ixs = lax.fori_loop(0, E, body, init, unroll=8)

            for j in range(ncc):
                vs, ix = vss[j], ixs[j]
                col = pl.ds((c0 + j) * L, L)
                mx = vs[0]
                es = [jnp.exp(v - mx) for v in vs]
                tot = es[0]
                for kk in range(1, K):
                    tot = tot + es[kk]
                inv = 1.0 / tot
                for kk in range(K):
                    wloc[kk, col] = es[kk] * inv
                    iloc[kk, col] = ix[kk]
            return 0

        lax.fori_loop(0, ncol // ncc, col_pair, 0)

        pltpu.sync_copy(wloc, w_hbm.at[bi, :, pl.ds(off, tpw)])
        pltpu.sync_copy(iloc, i_hbm.at[bi, :, pl.ds(off, tpw)])

    return topk


def kernel(x, W_router):
    b, s, h = x.shape
    x2d = x.reshape(b * s, h)
    wt = W_router.T
    logitst = _router_logits_t(x2d, wt, b, s)
    weights_t, indices_t = _make_topk_sc(b, s)(logitst)
    return (jnp.swapaxes(weights_t, 1, 2),
            jnp.swapaxes(indices_t, 1, 2),
            jnp.swapaxes(logitst, 1, 2))

# --- scband reference (transcript-rebuilt; emitter-appended) ---
"""Pipeline reference for scband-mo-eexpert-router-66099546685646 (READ-ONLY COPY).

The authoritative reference and input builder live on the scoring server;
editing this copy changes nothing except your own understanding.
"""

import jax, jax.numpy as jnp
import numpy as np
from jax import lax

NUM_EXPERTS = 64
TOP_K = 8
BATCH = 2
SEQ = 4096
HIDDEN = 2048

def setup_inputs(seed: int = 0) -> dict:
    key = jax.random.key(seed)
    k_x, k_w = jax.random.split(key)
    x = jax.random.normal(k_x, (BATCH, SEQ, HIDDEN), dtype=jnp.float32)
    # router Dense kernel, no bias: [hidden_dim, num_experts]
    W_router = jax.random.normal(k_w, (HIDDEN, NUM_EXPERTS), dtype=jnp.float32) * (1.0 / np.sqrt(HIDDEN))
    return {"x": x, "W_router": W_router}

def reference(x, W_router):
    # router_logits = Dense(num_experts, use_bias=False)(x)
    router_logits = jnp.einsum('bsh,he->bse', x, W_router)
    # top-k expert selection
    top_logits, top_indices = lax.top_k(router_logits, k=TOP_K)
    # softmax over selected experts
    routing_weights = jax.nn.softmax(top_logits, axis=-1)
    return (routing_weights, top_indices, router_logits)

if __name__ == "__main__":
    import jax
    _d = setup_inputs()
    print(jax.jit(kernel)(*tuple(_d.values())))

</pallas_src>

<mosaic_0001>
#map = affine_map<(d0, d1) -> (0, 0, 0)>
module attributes {stable_mosaic.version = 14 : i64} {
  func.func @topk(%arg0: i32, %arg1: i32, %arg2: memref<2x64x4096xf32, #tpu.memory_space<hbm>>, %arg3: memref<2x8x4096xf32, #tpu.memory_space<hbm>>, %arg4: memref<2x8x4096xi32, #tpu.memory_space<hbm>>, %arg5: memref<64x256xf32, #tpu.memory_space<vmem>>, %arg6: memref<8x256xf32, #tpu.memory_space<vmem>>, %arg7: memref<8x256xi32, #tpu.memory_space<vmem>>) attributes {dimension_semantics = [#tpu.dimension_semantics<core_parallel>, #tpu.dimension_semantics<subcore_parallel>], iteration_bounds = array<i64: 2, 16>, scalar_prefetch = 0 : i64, scratch_operands = 3 : i64, tpu.core_type = #tpu.core_type<sc_vector_subcore>, window_params = [{transform_indices = #map}, {transform_indices = #map}, {transform_indices = #map}]} {
    %mul3A = arith.constant 2 : i32
    %mul3A_0 = arith.muli %arg1, %mul3A : i32
    %add3A = arith.addi %mul3A_0, %arg0 : i32
    %jit3A = arith.constant 16 : i32
    %div3A = arith.divsi %add3A, %jit3A : i32
    %sign3A = arith.constant 0 : i32
    %sign3A_1 = arith.cmpi sgt, %add3A, %sign3A : i32
    %sign3A_2 = arith.extui %sign3A_1 : i1 to i32
    %sign3A_3 = arith.constant 0 : i32
    %sign3A_4 = arith.cmpi slt, %add3A, %sign3A_3 : i32
    %sign3A_5 = arith.extui %sign3A_4 : i1 to i32
    %sign3A_6 = arith.subi %sign3A_2, %sign3A_5 : i32
    %sign3A_7 = arith.constant 0 : i32
    %sign3A_8 = arith.cmpi sgt, %jit3A, %sign3A_7 : i32
    %sign3A_9 = arith.extui %sign3A_8 : i1 to i32
    %sign3A_10 = arith.constant 0 : i32
    %sign3A_11 = arith.cmpi slt, %jit3A, %sign3A_10 : i32
    %sign3A_12 = arith.extui %sign3A_11 : i1 to i32
    %sign3A_13 = arith.subi %sign3A_9, %sign3A_12 : i32
    %ne3A = arith.cmpi ne, %sign3A_6, %sign3A_13 : i32
    %rem3A = arith.remsi %add3A, %jit3A : i32
    %ne3A_14 = arith.constant 0 : i32
    %ne3A_15 = arith.cmpi ne, %rem3A, %ne3A_14 : i32
    %and3A = arith.andi %ne3A, %ne3A_15 : i1
    %sub3A = arith.constant 1 : i32
    %sub3A_16 = arith.subi %div3A, %sub3A : i32
    %select_n3A = arith.select %and3A, %sub3A_16, %div3A : i32
    %jit3A_17 = arith.constant 16 : i32
    %eq3A = arith.constant 0 : i32
    %eq3A_18 = arith.cmpi eq, %jit3A_17, %eq3A : i32
    %jit3A_19 = arith.constant 1 : i32
    %select_n3A_20 = arith.select %eq3A_18, %jit3A_19, %jit3A_17 : i32
    %rem3A_21 = arith.remsi %add3A, %select_n3A_20 : i32
    %ne3A_22 = arith.constant 0 : i32
    %ne3A_23 = arith.cmpi ne, %rem3A_21, %ne3A_22 : i32
    %lt3A = arith.constant 0 : i32
    %lt3A_24 = arith.cmpi slt, %rem3A_21, %lt3A : i32
    %lt3A_25 = arith.constant 0 : i32
    %lt3A_26 = arith.cmpi slt, %select_n3A_20, %lt3A_25 : i32
    %ne3A_27 = arith.xori %lt3A_24, %lt3A_26 : i1
    %and3A_28 = arith.andi %ne3A_27, %ne3A_23 : i1
    %add3A_29 = arith.addi %rem3A_21, %select_n3A_20 : i32
    %select_n3A_30 = arith.select %and3A_28, %add3A_29, %rem3A_21 : i32
    %mul3A_31 = arith.constant 256 : i32
    %mul3A_32 = arith.muli %select_n3A_30, %mul3A_31 : i32
    "tpu.region"() ({
      %run_scoped3A = tpu.sem_alloc : memref<!tpu.dma_semaphore, #tpu.memory_space<semaphore_mem>>
      %dma_start3A = arith.constant 0 : i32
      %dma_start3A_42 = tpu.memref_slice %arg2[%select_n3A, %dma_start3A, %mul3A_32] : memref<2x64x4096xf32, #tpu.memory_space<hbm>> -> memref<1x64x256xf32, #tpu.memory_space<hbm>>
      %dma_start3A_43 = tpu.memref_squeeze %dma_start3A_42 : memref<1x64x256xf32, #tpu.memory_space<hbm>> -> memref<64x256xf32, #tpu.memory_space<hbm>>
      %dma_start3A_44 = arith.constant 0 : i32
      %dma_start3A_45 = tpu.memref_slice %arg2[%select_n3A, %dma_start3A_44, %mul3A_32] : memref<2x64x4096xf32, #tpu.memory_space<hbm>> -> memref<1x64x256xf32, #tpu.memory_space<hbm>>
      %dma_start3A_46 = tpu.memref_squeeze %dma_start3A_45 : memref<1x64x256xf32, #tpu.memory_space<hbm>> -> memref<64x256xf32, #tpu.memory_space<hbm>>
      tpu.enqueue_dma source(%dma_start3A_46 : memref<64x256xf32, #tpu.memory_space<hbm>>) target(%arg5 : memref<64x256xf32, #tpu.memory_space<vmem>>) target_semaphore(%run_scoped3A : memref<!tpu.dma_semaphore, #tpu.memory_space<semaphore_mem>>)
      %dma_wait3A = arith.constant 0 : i32
      %dma_wait3A_47 = tpu.memref_slice %arg2[%select_n3A, %dma_wait3A, %mul3A_32] : memref<2x64x4096xf32, #tpu.memory_space<hbm>> -> memref<1x64x256xf32, #tpu.memory_space<hbm>>
      %dma_wait3A_48 = tpu.memref_squeeze %dma_wait3A_47 : memref<1x64x256xf32, #tpu.memory_space<hbm>> -> memref<64x256xf32, #tpu.memory_space<hbm>>
      %dma_wait3A_49 = arith.constant 0 : i32
      %dma_wait3A_50 = tpu.memref_slice %arg2[%select_n3A, %dma_wait3A_49, %mul3A_32] : memref<2x64x4096xf32, #tpu.memory_space<hbm>> -> memref<1x64x256xf32, #tpu.memory_space<hbm>>
      %dma_wait3A_51 = tpu.memref_squeeze %dma_wait3A_50 : memref<1x64x256xf32, #tpu.memory_space<hbm>> -> memref<64x256xf32, #tpu.memory_space<hbm>>
      tpu.wait_dma2 semaphore(%run_scoped3A : memref<!tpu.dma_semaphore, #tpu.memory_space<semaphore_mem>>) src(%dma_wait3A_51 : memref<64x256xf32, #tpu.memory_space<hbm>>) dst(%arg5 : memref<64x256xf32, #tpu.memory_space<vmem>>)
      tpu.yield
    }) : () -> ()
    %broadcast_in_dim3A = arith.constant 0xFF800000 : f32
    %broadcast_in_dim3A_33 = vector.broadcast %broadcast_in_dim3A : f32 to vector<16xf32>
    %broadcast_in_dim3A_34 = arith.constant 0 : i32
    %broadcast_in_dim3A_35 = vector.broadcast %broadcast_in_dim3A_34 : i32 to vector<16xi32>
    %scan3A = arith.constant 0 : i32
    %scan3A_36 = arith.constant 0 : i32
    %scan3A_37 = arith.constant 8 : i32
    %scan3A_38 = arith.addi %scan3A_36, %scan3A_37 : i32
    %scan3A_39 = arith.constant 1 : i32
    %scan3A_40 = scf.for %scan3A_42 = %scan3A_36 to %scan3A_38 step %scan3A_39 iter_args(%scan3A_43 = %scan3A) -> (i32)  : i32 {
      %mul3A_44 = arith.constant 2 : i32
      %mul3A_45 = arith.muli %scan3A_42, %mul3A_44 : i32
      %scan3A_46 = arith.constant 0 : i32
      %scan3A_47 = arith.constant 64 : i32
      %scan3A_48 = arith.addi %scan3A_46, %scan3A_47 : i32
      %scan3A_49 = arith.constant 8 : i32
      %scan3A_50:32 = scf.for %scan3A_255 = %scan3A_46 to %scan3A_48 step %scan3A_49 iter_args(%scan3A_256 = %broadcast_in_dim3A_33, %scan3A_257 = %broadcast_in_dim3A_33, %scan3A_258 = %broadcast_in_dim3A_33, %scan3A_259 = %broadcast_in_dim3A_33, %scan3A_260 = %broadcast_in_dim3A_33, %scan3A_261 = %broadcast_in_dim3A_33, %scan3A_262 = %broadcast_in_dim3A_33, %scan3A_263 = %broadcast_in_dim3A_33, %scan3A_264 = %broadcast_in_dim3A_33, %scan3A_265 = %broadcast_in_dim3A_33, %scan3A_266 = %broadcast_in_dim3A_33, %scan3A_267 = %broadcast_in_dim3A_33, %scan3A_268 = %broadcast_in_dim3A_33, %scan3A_269 = %broadcast_in_dim3A_33, %scan3A_270 = %broadcast_in_dim3A_33, %scan3A_271 = %broadcast_in_dim3A_33, %scan3A_272 = %broadcast_in_dim3A_35, %scan3A_273 = %broadcast_in_dim3A_35, %scan3A_274 = %broadcast_in_dim3A_35, %scan3A_275 = %broadcast_in_dim3A_35, %scan3A_276 = %broadcast_in_dim3A_35, %scan3A_277 = %broadcast_in_dim3A_35, %scan3A_278 = %broadcast_in_dim3A_35, %scan3A_279 = %broadcast_in_dim3A_35, %scan3A_280 = %broadcast_in_dim3A_35, %scan3A_281 = %broadcast_in_dim3A_35, %scan3A_282 = %broadcast_in_dim3A_35, %scan3A_283 = %broadcast_in_dim3A_35, %scan3A_284 = %broadcast_in_dim3A_35, %scan3A_285 = %broadcast_in_dim3A_35, %scan3A_286 = %broadcast_in_dim3A_35, %scan3A_287 = %broadcast_in_dim3A_35) -> (vector<16xf32>, vector<16xf32>, vector<16xf32>, vector<16xf32>, vector<16xf32>, vector<16xf32>, vector<16xf32>, vector<16xf32>, vector<16xf32>, vector<16xf32>, vector<16xf32>, vector<16xf32>, vector<16xf32>, vector<16xf32>, vector<16xf32>, vector<16xf32>, vector<16xi32>, vector<16xi32>, vector<16xi32>, vector<16xi32>, vector<16xi32>, vector<16xi32>, vector<16xi32>, vector<16xi32>, vector<16xi32>, vector<16xi32>, vector<16xi32>, vector<16xi32>, vector<16xi32>, vector<16xi32>, vector<16xi32>, vector<16xi32>)  : i32 {
        %broadcast_in_dim3A_288 = vector.broadcast %scan3A_255 : i32 to vector<16xi32>
        %add3A_289 = arith.constant 0 : i32
        %add3A_290 = arith.addi %mul3A_45, %add3A_289 : i32
        %mul3A_291 = arith.constant 16 : i32
        %mul3A_292 = arith.muli %add3A_290, %mul3A_291 : i32
        %get3A = arith.index_cast %scan3A_255 : i32 to index
        %get3A_293 = arith.index_cast %mul3A_292 : i32 to index
        %get3A_294 = tpu.vector_load %arg5[%get3A, %get3A_293] {strides = array<i32>} : memref<64x256xf32, #tpu.memory_space<vmem>>, vector<16xf32>,
        %gt3A = arith.cmpf ogt, %get3A_294, %scan3A_256 : vector<16xf32>
        %max3A = arith.maximumf %get3A_294, %scan3A_256 : vector<16xf32>
        %min3A = arith.minimumf %get3A_294, %scan3A_256 : vector<16xf32>
        %select_n3A_295 = arith.select %gt3A, %broadcast_in_dim3A_288, %scan3A_272 : vector<16xi1>, vector<16xi32>
        %select_n3A_296 = arith.select %gt3A, %scan3A_272, %broadcast_in_dim3A_288 : vector<16xi1>, vector<16xi32>
        %gt3A_297 = arith.cmpf ogt, %min3A, %scan3A_257 : vector<16xf32>
        %max3A_298 = arith.maximumf %min3A, %scan3A_257 : vector<16xf32>
        %min3A_299 = arith.minimumf %min3A, %scan3A_257 : vector<16xf32>
        %select_n3A_300 = arith.select %gt3A_297, %select_n3A_296, %scan3A_273 : vector<16xi1>, vector<16xi32>
        %select_n3A_301 = arith.select %gt3A_297, %scan3A_273, %select_n3A_296 : vector<16xi1>, vector<16xi32>
        %gt3A_302 = arith.cmpf ogt, %min3A_299, %scan3A_258 : vector<16xf32>
        %max3A_303 = arith.maximumf %min3A_299, %scan3A_258 : vector<16xf32>
        %min3A_304 = arith.minimumf %min3A_299, %scan3A_258 : vector<16xf32>
        %select_n3A_305 = arith.select %gt3A_302, %select_n3A_301, %scan3A_274 : vector<16xi1>, vector<16xi32>
        %select_n3A_306 = arith.select %gt3A_302, %scan3A_274, %select_n3A_301 : vector<16xi1>, vector<16xi32>
        %gt3A_307 = arith.cmpf ogt, %min3A_304, %scan3A_259 : vector<16xf32>
        %max3A_308 = arith.maximumf %min3A_304, %scan3A_259 : vector<16xf32>
        %min3A_309 = arith.minimumf %min3A_304, %scan3A_259 : vector<16xf32>
        %select_n3A_310 = arith.select %gt3A_307, %select_n3A_306, %scan3A_275 : vector<16xi1>, vector<16xi32>
        %select_n3A_311 = arith.select %gt3A_307, %scan3A_275, %select_n3A_306 : vector<16xi1>, vector<16xi32>
        %gt3A_312 = arith.cmpf ogt, %min3A_309, %scan3A_260 : vector<16xf32>
        %max3A_313 = arith.maximumf %min3A_309, %scan3A_260 : vector<16xf32>
        %min3A_314 = arith.minimumf %min3A_309, %scan3A_260 : vector<16xf32>
        %select_n3A_315 = arith.select %gt3A_312, %select_n3A_311, %scan3A_276 : vector<16xi1>, vector<16xi32>
        %select_n3A_316 = arith.select %gt3A_312, %scan3A_276, %select_n3A_311 : vector<16xi1>, vector<16xi32>
        %gt3A_317 = arith.cmpf ogt, %min3A_314, %scan3A_261 : vector<16xf32>
        %max3A_318 = arith.maximumf %min3A_314, %scan3A_261 : vector<16xf32>
        %min3A_319 = arith.minimumf %min3A_314, %scan3A_261 : vector<16xf32>
        %select_n3A_320 = arith.select %gt3A_317, %select_n3A_316, %scan3A_277 : vector<16xi1>, vector<16xi32>
        %select_n3A_321 = arith.select %gt3A_317, %scan3A_277, %select_n3A_316 : vector<16xi1>, vector<16xi32>
        %gt3A_322 = arith.cmpf ogt, %min3A_319, %scan3A_262 : vector<16xf32>
        %max3A_323 = arith.maximumf %min3A_319, %scan3A_262 : vector<16xf32>
        %min3A_324 = arith.minimumf %min3A_319, %scan3A_262 : vector<16xf32>
        %select_n3A_325 = arith.select %gt3A_322, %select_n3A_321, %scan3A_278 : vector<16xi1>, vector<16xi32>
        %select_n3A_326 = arith.select %gt3A_322, %scan3A_278, %select_n3A_321 : vector<16xi1>, vector<16xi32>
        %gt3A_327 = arith.cmpf ogt, %min3A_324, %scan3A_263 : vector<16xf32>
        %max3A_328 = arith.maximumf %min3A_324, %scan3A_263 : vector<16xf32>
        %min3A_329 = arith.minimumf %min3A_324, %scan3A_263 : vector<16xf32>
        %select_n3A_330 = arith.select %gt3A_327, %select_n3A_326, %scan3A_279 : vector<16xi1>, vector<16xi32>
        %select_n3A_331 = arith.select %gt3A_327, %scan3A_279, %select_n3A_326 : vector<16xi1>, vector<16xi32>
        %add3A_332 = arith.constant 1 : i32
        %add3A_333 = arith.addi %mul3A_45, %add3A_332 : i32
        %mul3A_334 = arith.constant 16 : i32
        %mul3A_335 = arith.muli %add3A_333, %mul3A_334 : i32
        %get3A_336 = arith.index_cast %scan3A_255 : i32 to index
        %get3A_337 = arith.index_cast %mul3A_335 : i32 to index
        %get3A_338 = tpu.vector_load %arg5[%get3A_336, %get3A_337] {strides = array<i32>} : memref<64x256xf32, #tpu.memory_space<vmem>>, vector<16xf32>,
        %gt3A_339 = arith.cmpf ogt, %get3A_338, %scan3A_264 : vector<16xf32>
        %max3A_340 = arith.maximumf %get3A_338, %scan3A_264 : vector<16xf32>
        %min3A_341 = arith.minimumf %get3A_338, %scan3A_264 : vector<16xf32>
        %select_n3A_342 = arith.select %gt3A_339, %broadcast_in_dim3A_288, %scan3A_280 : vector<16xi1>, vector<16xi32>
        %select_n3A_343 = arith.select %gt3A_339, %scan3A_280, %broadcast_in_dim3A_288 : vector<16xi1>, vector<16xi32>
        %gt3A_344 = arith.cmpf ogt, %min3A_341, %scan3A_265 : vector<16xf32>
        %max3A_345 = arith.maximumf %min3A_341, %scan3A_265 : vector<16xf32>
        %min3A_346 = arith.minimumf %min3A_341, %scan3A_265 : vector<16xf32>
        %select_n3A_347 = arith.select %gt3A_344, %select_n3A_343, %scan3A_281 : vector<16xi1>, vector<16xi32>
        %select_n3A_348 = arith.select %gt3A_344, %scan3A_281, %select_n3A_343 : vector<16xi1>, vector<16xi32>
        %gt3A_349 = arith.cmpf ogt, %min3A_346, %scan3A_266 : vector<16xf32>
        %max3A_350 = arith.maximumf %min3A_346, %scan3A_266 : vector<16xf32>
        %min3A_351 = arith.minimumf %min3A_346, %scan3A_266 : vector<16xf32>
        %select_n3A_352 = arith.select %gt3A_349, %select_n3A_348, %scan3A_282 : vector<16xi1>, vector<16xi32>
        %select_n3A_353 = arith.select %gt3A_349, %scan3A_282, %select_n3A_348 : vector<16xi1>, vector<16xi32>
        %gt3A_354 = arith.cmpf ogt, %min3A_351, %scan3A_267 : vector<16xf32>
        %max3A_355 = arith.maximumf %min3A_351, %scan3A_267 : vector<16xf32>
        %min3A_356 = arith.minimumf %min3A_351, %scan3A_267 : vector<16xf32>
        %select_n3A_357 = arith.select %gt3A_354, %select_n3A_353, %scan3A_283 : vector<16xi1>, vector<16xi32>
        %select_n3A_358 = arith.select %gt3A_354, %scan3A_283, %select_n3A_353 : vector<16xi1>, vector<16xi32>
        %gt3A_359 = arith.cmpf ogt, %min3A_356, %scan3A_268 : vector<16xf32>
        %max3A_360 = arith.maximumf %min3A_356, %scan3A_268 : vector<16xf32>
        %min3A_361 = arith.minimumf %min3A_356, %scan3A_268 : vector<16xf32>
        %select_n3A_362 = arith.select %gt3A_359, %select_n3A_358, %scan3A_284 : vector<16xi1>, vector<16xi32>
        %select_n3A_363 = arith.select %gt3A_359, %scan3A_284, %select_n3A_358 : vector<16xi1>, vector<16xi32>
        %gt3A_364 = arith.cmpf ogt, %min3A_361, %scan3A_269 : vector<16xf32>
        %max3A_365 = arith.maximumf %min3A_361, %scan3A_269 : vector<16xf32>
        %min3A_366 = arith.minimumf %min3A_361, %scan3A_269 : vector<16xf32>
        %select_n3A_367 = arith.select %gt3A_364, %select_n3A_363, %scan3A_285 : vector<16xi1>, vector<16xi32>
        %select_n3A_368 = arith.select %gt3A_364, %scan3A_285, %select_n3A_363 : vector<16xi1>, vector<16xi32>
        %gt3A_369 = arith.cmpf ogt, %min3A_366, %scan3A_270 : vector<16xf32>
        %max3A_370 = arith.maximumf %min3A_366, %scan3A_270 : vector<16xf32>
        %min3A_371 = arith.minimumf %min3A_366, %scan3A_270 : vector<16xf32>
        %select_n3A_372 = arith.select %gt3A_369, %select_n3A_368, %scan3A_286 : vector<16xi1>, vector<16xi32>
        %select_n3A_373 = arith.select %gt3A_369, %scan3A_286, %select_n3A_368 : vector<16xi1>, vector<16xi32>
        %gt3A_374 = arith.cmpf ogt, %min3A_371, %scan3A_271 : vector<16xf32>
        %max3A_375 = arith.maximumf %min3A_371, %scan3A_271 : vector<16xf32>
        %min3A_376 = arith.minimumf %min3A_371, %scan3A_271 : vector<16xf32>
        %select_n3A_377 = arith.select %gt3A_374, %select_n3A_373, %scan3A_287 : vector<16xi1>, vector<16xi32>
        %select_n3A_378 = arith.select %gt3A_374, %scan3A_287, %select_n3A_373 : vector<16xi1>, vector<16xi32>
        %scan3A_379 = arith.constant 1 : i32
        %scan3A_380 = arith.addi %scan3A_255, %scan3A_379 : i32
        %broadcast_in_dim3A_381 = vector.broadcast %scan3A_380 : i32 to vector<16xi32>
        %add3A_382 = arith.constant 0 : i32
        %add3A_383 = arith.addi %mul3A_45, %add3A_382 : i32
        %mul3A_384 = arith.constant 16 : i32
        %mul3A_385 = arith.muli %add3A_383, %mul3A_384 : i32
        %get3A_386 = arith.index_cast %scan3A_380 : i32 to index
        %get3A_387 = arith.index_cast %mul3A_385 : i32 to index
        %get3A_388 = tpu.vector_load %arg5[%get3A_386, %get3A_387] {strides = array<i32>} : memref<64x256xf32, #tpu.memory_space<vmem>>, vector<16xf32>,
        %gt3A_389 = arith.cmpf ogt, %get3A_388, %max3A : vector<16xf32>
        %max3A_390 = arith.maximumf %get3A_388, %max3A : vector<16xf32>
        %min3A_391 = arith.minimumf %get3A_388, %max3A : vector<16xf32>
        %select_n3A_392 = arith.select %gt3A_389, %broadcast_in_dim3A_381, %select_n3A_295 : vector<16xi1>, vector<16xi32>
        %select_n3A_393 = arith.select %gt3A_389, %select_n3A_295, %broadcast_in_dim3A_381 : vector<16xi1>, vector<16xi32>
        %gt3A_394 = arith.cmpf ogt, %min3A_391, %max3A_298 : vector<16xf32>
        %max3A_395 = arith.maximumf %min3A_391, %max3A_298 : vector<16xf32>
        %min3A_396 = arith.minimumf %min3A_391, %max3A_298 : vector<16xf32>
        %select_n3A_397 = arith.select %gt3A_394, %select_n3A_393, %select_n3A_300 : vector<16xi1>, vector<16xi32>
        %select_n3A_398 = arith.select %gt3A_394, %select_n3A_300, %select_n3A_393 : vector<16xi1>, vector<16xi32>
        %gt3A_399 = arith.cmpf ogt, %min3A_396, %max3A_303 : vector<16xf32>
        %max3A_400 = arith.maximumf %min3A_396, %max3A_303 : vector<16xf32>
        %min3A_401 = arith.minimumf %min3A_396, %max3A_303 : vector<16xf32>
        %select_n3A_402 = arith.select %gt3A_399, %select_n3A_398, %select_n3A_305 : vector<16xi1>, vector<16xi32>
        %select_n3A_403 = arith.select %gt3A_399, %select_n3A_305, %select_n3A_398 : vector<16xi1>, vector<16xi32>
        %gt3A_404 = arith.cmpf ogt, %min3A_401, %max3A_308 : vector<16xf32>
        %max3A_405 = arith.maximumf %min3A_401, %max3A_308 : vector<16xf32>
        %min3A_406 = arith.minimumf %min3A_401, %max3A_308 : vector<16xf32>
        %select_n3A_407 = arith.select %gt3A_404, %select_n3A_403, %select_n3A_310 : vector<16xi1>, vector<16xi32>
        %select_n3A_408 = arith.select %gt3A_404, %select_n3A_310, %select_n3A_403 : vector<16xi1>, vector<16xi32>
        %gt3A_409 = arith.cmpf ogt, %min3A_406, %max3A_313 : vector<16xf32>
        %max3A_410 = arith.maximumf %min3A_406, %max3A_313 : vector<16xf32>
        %min3A_411 = arith.minimumf %min3A_406, %max3A_313 : vector<16xf32>
        %select_n3A_412 = arith.select %gt3A_409, %select_n3A_408, %select_n3A_315 : vector<16xi1>, vector<16xi32>
        %select_n3A_413 = arith.select %gt3A_409, %select_n3A_315, %select_n3A_408 : vector<16xi1>, vector<16xi32>
        %gt3A_414 = arith.cmpf ogt, %min3A_411, %max3A_318 : vector<16xf32>
        %max3A_415 = arith.maximumf %min3A_411, %max3A_318 : vector<16xf32>
        %min3A_416 = arith.minimumf %min3A_411, %max3A_318 : vector<16xf32>
        %select_n3A_417 = arith.select %gt3A_414, %select_n3A_413, %select_n3A_320 : vector<16xi1>, vector<16xi32>
        %select_n3A_418 = arith.select %gt3A_414, %select_n3A_320, %select_n3A_413 : vector<16xi1>, vector<16xi32>
        %gt3A_419 = arith.cmpf ogt, %min3A_416, %max3A_323 : vector<16xf32>
        %max3A_420 = arith.maximumf %min3A_416, %max3A_323 : vector<16xf32>
        %min3A_421 = arith.minimumf %min3A_416, %max3A_323 : vector<16xf32>
        %select_n3A_422 = arith.select %gt3A_419, %select_n3A_418, %select_n3A_325 : vector<16xi1>, vector<16xi32>
        %select_n3A_423 = arith.select %gt3A_419, %select_n3A_325, %select_n3A_418 : vector<16xi1>, vector<16xi32>
        %gt3A_424 = arith.cmpf ogt, %min3A_421, %max3A_328 : vector<16xf32>
        %max3A_425 = arith.maximumf %min3A_421, %max3A_328 : vector<16xf32>
        %min3A_426 = arith.minimumf %min3A_421, %max3A_328 : vector<16xf32>
        %select_n3A_427 = arith.select %gt3A_424, %select_n3A_423, %select_n3A_330 : vector<16xi1>, vector<16xi32>
        %select_n3A_428 = arith.select %gt3A_424, %select_n3A_330, %select_n3A_423 : vector<16xi1>, vector<16xi32>
        %add3A_429 = arith.constant 1 : i32
        %add3A_430 = arith.addi %mul3A_45, %add3A_429 : i32
        %mul3A_431 = arith.constant 16 : i32
        %mul3A_432 = arith.muli %add3A_430, %mul3A_431 : i32
        %get3A_433 = arith.index_cast %scan3A_380 : i32 to index
        %get3A_434 = arith.index_cast %mul3A_432 : i32 to index
        %get3A_435 = tpu.vector_load %arg5[%get3A_433, %get3A_434] {strides = array<i32>} : memref<64x256xf32, #tpu.memory_space<vmem>>, vector<16xf32>,
        %gt3A_436 = arith.cmpf ogt, %get3A_435, %max3A_340 : vector<16xf32>
        %max3A_437 = arith.maximumf %get3A_435, %max3A_340 : vector<16xf32>
        %min3A_438 = arith.minimumf %get3A_435, %max3A_340 : vector<16xf32>
        %select_n3A_439 = arith.select %gt3A_436, %broadcast_in_dim3A_381, %select_n3A_342 : vector<16xi1>, vector<16xi32>
        %select_n3A_440 = arith.select %gt3A_436, %select_n3A_342, %broadcast_in_dim3A_381 : vector<16xi1>, vector<16xi32>
        %gt3A_441 = arith.cmpf ogt, %min3A_438, %max3A_345 : vector<16xf32>
        %max3A_442 = arith.maximumf %min3A_438, %max3A_345 : vector<16xf32>
        %min3A_443 = arith.minimumf %min3A_438, %max3A_345 : vector<16xf32>
        %select_n3A_444 = arith.select %gt3A_441, %select_n3A_440, %select_n3A_347 : vector<16xi1>, vector<16xi32>
        %select_n3A_445 = arith.select %gt3A_441, %select_n3A_347, %select_n3A_440 : vector<16xi1>, vector<16xi32>
        %gt3A_446 = arith.cmpf ogt, %min3A_443, %max3A_350 : vector<16xf32>
        %max3A_447 = arith.maximumf %min3A_443, %max3A_350 : vector<16xf32>
        %min3A_448 = arith.minimumf %min3A_443, %max3A_350 : vector<16xf32>
        %select_n3A_449 = arith.select %gt3A_446, %select_n3A_445, %select_n3A_352 : vector<16xi1>, vector<16xi32>
        %select_n3A_450 = arith.select %gt3A_446, %select_n3A_352, %select_n3A_445 : vector<16xi1>, vector<16xi32>
        %gt3A_451 = arith.cmpf ogt, %min3A_448, %max3A_355 : vector<16xf32>
        %max3A_452 = arith.maximumf %min3A_448, %max3A_355 : vector<16xf32>
        %min3A_453 = arith.minimumf %min3A_448, %max3A_355 : vector<16xf32>
        %select_n3A_454 = arith.select %gt3A_451, %select_n3A_450, %select_n3A_357 : vector<16xi1>, vector<16xi32>
        %select_n3A_455 = arith.select %gt3A_451, %select_n3A_357, %select_n3A_450 : vector<16xi1>, vector<16xi32>
        %gt3A_456 = arith.cmpf ogt, %min3A_453, %max3A_360 : vector<16xf32>
        %max3A_457 = arith.maximumf %min3A_453, %max3A_360 : vector<16xf32>
        %min3A_458 = arith.minimumf %min3A_453, %max3A_360 : vector<16xf32>
        %select_n3A_459 = arith.select %gt3A_456, %select_n3A_455, %select_n3A_362 : vector<16xi1>, vector<16xi32>
        %select_n3A_460 = arith.select %gt3A_456, %select_n3A_362, %select_n3A_455 : vector<16xi1>, vector<16xi32>
        %gt3A_461 = arith.cmpf ogt, %min3A_458, %max3A_365 : vector<16xf32>
        %max3A_462 = arith.maximumf %min3A_458, %max3A_365 : vector<16xf32>
        %min3A_463 = arith.minimumf %min3A_458, %max3A_365 : vector<16xf32>
        %select_n3A_464 = arith.select %gt3A_461, %select_n3A_460, %select_n3A_367 : vector<16xi1>, vector<16xi32>
        %select_n3A_465 = arith.select %gt3A_461, %select_n3A_367, %select_n3A_460 : vector<16xi1>, vector<16xi32>
        %gt3A_466 = arith.cmpf ogt, %min3A_463, %max3A_370 : vector<16xf32>
        %max3A_467 = arith.maximumf %min3A_463, %max3A_370 : vector<16xf32>
        %min3A_468 = arith.minimumf %min3A_463, %max3A_370 : vector<16xf32>
        %select_n3A_469 = arith.select %gt3A_466, %select_n3A_465, %select_n3A_372 : vector<16xi1>, vector<16xi32>
        %select_n3A_470 = arith.select %gt3A_466, %select_n3A_372, %select_n3A_465 : vector<16xi1>, vector<16xi32>
        %gt3A_471 = arith.cmpf ogt, %min3A_468, %max3A_375 : vector<16xf32>
        %max3A_472 = arith.maximumf %min3A_468, %max3A_375 : vector<16xf32>
        %min3A_473 = arith.minimumf %min3A_468, %max3A_375 : vector<16xf32>
        %select_n3A_474 = arith.select %gt3A_471, %select_n3A_470, %select_n3A_377 : vector<16xi1>, vector<16xi32>
        %select_n3A_475 = arith.select %gt3A_471, %select_n3A_377, %select_n3A_470 : vector<16xi1>, vector<16xi32>
        %scan3A_476 = arith.constant 2 : i32
        %scan3A_477 = arith.addi %scan3A_255, %scan3A_476 : i32
        %broadcast_in_dim3A_478 = vector.broadcast %scan3A_477 : i32 to vector<16xi32>
        %add3A_479 = arith.constant 0 : i32
        %add3A_480 = arith.addi %mul3A_45, %add3A_479 : i32
        %mul3A_481 = arith.constant 16 : i32
        %mul3A_482 = arith.muli %add3A_480, %mul3A_481 : i32
        %get3A_483 = arith.index_cast %scan3A_477 : i32 to index
        %get3A_484 = arith.index_cast %mul3A_482 : i32 to index
        %get3A_485 = tpu.vector_load %arg5[%get3A_483, %get3A_484] {strides = array<i32>} : memref<64x256xf32, #tpu.memory_space<vmem>>, vector<16xf32>,
        %gt3A_486 = arith.cmpf ogt, %get3A_485, %max3A_390 : vector<16xf32>
        %max3A_487 = arith.maximumf %get3A_485, %max3A_390 : vector<16xf32>
        %min3A_488 = arith.minimumf %get3A_485, %max3A_390 : vector<16xf32>
        %select_n3A_489 = arith.select %gt3A_486, %broadcast_in_dim3A_478, %select_n3A_392 : vector<16xi1>, vector<16xi32>
        %select_n3A_490 = arith.select %gt3A_486, %select_n3A_392, %broadcast_in_dim3A_478 : vector<16xi1>, vector<16xi32>
        %gt3A_491 = arith.cmpf ogt, %min3A_488, %max3A_395 : vector<16xf32>
        %max3A_492 = arith.maximumf %min3A_488, %max3A_395 : vector<16xf32>
        %min3A_493 = arith.minimumf %min3A_488, %max3A_395 : vector<16xf32>
        %select_n3A_494 = arith.select %gt3A_491, %select_n3A_490, %select_n3A_397 : vector<16xi1>, vector<16xi32>
        %select_n3A_495 = arith.select %gt3A_491, %select_n3A_397, %select_n3A_490 : vector<16xi1>, vector<16xi32>
        %gt3A_496 = arith.cmpf ogt, %min3A_493, %max3A_400 : vector<16xf32>
        %max3A_497 = arith.maximumf %min3A_493, %max3A_400 : vector<16xf32>
        %min3A_498 = arith.minimumf %min3A_493, %max3A_400 : vector<16xf32>
        %select_n3A_499 = arith.select %gt3A_496, %select_n3A_495, %select_n3A_402 : vector<16xi1>, vector<16xi32>
        %select_n3A_500 = arith.select %gt3A_496, %select_n3A_402, %select_n3A_495 : vector<16xi1>, vector<16xi32>
        %gt3A_501 = arith.cmpf ogt, %min3A_498, %max3A_405 : vector<16xf32>
        %max3A_502 = arith.maximumf %min3A_498, %max3A_405 : vector<16xf32>
        %min3A_503 = arith.minimumf %min3A_498, %max3A_405 : vector<16xf32>
        %select_n3A_504 = arith.select %gt3A_501, %select_n3A_500, %select_n3A_407 : vector<16xi1>, vector<16xi32>
        %select_n3A_505 = arith.select %gt3A_501, %select_n3A_407, %select_n3A_500 : vector<16xi1>, vector<16xi32>
        %gt3A_506 = arith.cmpf ogt, %min3A_503, %max3A_410 : vector<16xf32>
        %max3A_507 = arith.maximumf %min3A_503, %max3A_410 : vector<16xf32>
        %min3A_508 = arith.minimumf %min3A_503, %max3A_410 : vector<16xf32>
        %select_n3A_509 = arith.select %gt3A_506, %select_n3A_505, %select_n3A_412 : vector<16xi1>, vector<16xi32>
        %select_n3A_510 = arith.select %gt3A_506, %select_n3A_412, %select_n3A_505 : vector<16xi1>, vector<16xi32>
        %gt3A_511 = arith.cmpf ogt, %min3A_508, %max3A_415 : vector<16xf32>
        %max3A_512 = arith.maximumf %min3A_508, %max3A_415 : vector<16xf32>
        %min3A_513 = arith.minimumf %min3A_508, %max3A_415 : vector<16xf32>
        %select_n3A_514 = arith.select %gt3A_511, %select_n3A_510, %select_n3A_417 : vector<16xi1>, vector<16xi32>
        %select_n3A_515 = arith.select %gt3A_511, %select_n3A_417, %select_n3A_510 : vector<16xi1>, vector<16xi32>
        %gt3A_516 = arith.cmpf ogt, %min3A_513, %max3A_420 : vector<16xf32>
        %max3A_517 = arith.maximumf %min3A_513, %max3A_420 : vector<16xf32>
        %min3A_518 = arith.minimumf %min3A_513, %max3A_420 : vector<16xf32>
        %select_n3A_519 = arith.select %gt3A_516, %select_n3A_515, %select_n3A_422 : vector<16xi1>, vector<16xi32>
        %select_n3A_520 = arith.select %gt3A_516, %select_n3A_422, %select_n3A_515 : vector<16xi1>, vector<16xi32>
        %gt3A_521 = arith.cmpf ogt, %min3A_518, %max3A_425 : vector<16xf32>
        %max3A_522 = arith.maximumf %min3A_518, %max3A_425 : vector<16xf32>
        %min3A_523 = arith.minimumf %min3A_518, %max3A_425 : vector<16xf32>
        %select_n3A_524 = arith.select %gt3A_521, %select_n3A_520, %select_n3A_427 : vector<16xi1>, vector<16xi32>
        %select_n3A_525 = arith.select %gt3A_521, %select_n3A_427, %select_n3A_520 : vector<16xi1>, vector<16xi32>
        %add3A_526 = arith.constant 1 : i32
        %add3A_527 = arith.addi %mul3A_45, %add3A_526 : i32
        %mul3A_528 = arith.constant 16 : i32
        %mul3A_529 = arith.muli %add3A_527, %mul3A_528 : i32
        %get3A_530 = arith.index_cast %scan3A_477 : i32 to index
        %get3A_531 = arith.index_cast %mul3A_529 : i32 to index
        %get3A_532 = tpu.vector_load %arg5[%get3A_530, %get3A_531] {strides = array<i32>} : memref<64x256xf32, #tpu.memory_space<vmem>>, vector<16xf32>,
        %gt3A_533 = arith.cmpf ogt, %get3A_532, %max3A_437 : vector<16xf32>
        %max3A_534 = arith.maximumf %get3A_532, %max3A_437 : vector<16xf32>
        %min3A_535 = arith.minimumf %get3A_532, %max3A_437 : vector<16xf32>
        %select_n3A_536 = arith.select %gt3A_533, %broadcast_in_dim3A_478, %select_n3A_439 : vector<16xi1>, vector<16xi32>
        %select_n3A_537 = arith.select %gt3A_533, %select_n3A_439, %broadcast_in_dim3A_478 : vector<16xi1>, vector<16xi32>
        %gt3A_538 = arith.cmpf ogt, %min3A_535, %max3A_442 : vector<16xf32>
        %max3A_539 = arith.maximumf %min3A_535, %max3A_442 : vector<16xf32>
        %min3A_540 = arith.minimumf %min3A_535, %max3A_442 : vector<16xf32>
        %select_n3A_541 = arith.select %gt3A_538, %select_n3A_537, %select_n3A_444 : vector<16xi1>, vector<16xi32>
        %select_n3A_542 = arith.select %gt3A_538, %select_n3A_444, %select_n3A_537 : vector<16xi1>, vector<16xi32>
        %gt3A_543 = arith.cmpf ogt, %min3A_540, %max3A_447 : vector<16xf32>
        %max3A_544 = arith.maximumf %min3A_540, %max3A_447 : vector<16xf32>
        %min3A_545 = arith.minimumf %min3A_540, %max3A_447 : vector<16xf32>
        %select_n3A_546 = arith.select %gt3A_543, %select_n3A_542, %select_n3A_449 : vector<16xi1>, vector<16xi32>
        %select_n3A_547 = arith.select %gt3A_543, %select_n3A_449, %select_n3A_542 : vector<16xi1>, vector<16xi32>
        %gt3A_548 = arith.cmpf ogt, %min3A_545, %max3A_452 : vector<16xf32>
        %max3A_549 = arith.maximumf %min3A_545, %max3A_452 : vector<16xf32>
        %min3A_550 = arith.minimumf %min3A_545, %max3A_452 : vector<16xf32>
        %select_n3A_551 = arith.select %gt3A_548, %select_n3A_547, %select_n3A_454 : vector<16xi1>, vector<16xi32>
        %select_n3A_552 = arith.select %gt3A_548, %select_n3A_454, %select_n3A_547 : vector<16xi1>, vector<16xi32>
        %gt3A_553 = arith.cmpf ogt, %min3A_550, %max3A_457 : vector<16xf32>
        %max3A_554 = arith.maximumf %min3A_550, %max3A_457 : vector<16xf32>
        %min3A_555 = arith.minimumf %min3A_550, %max3A_457 : vector<16xf32>
        %select_n3A_556 = arith.select %gt3A_553, %select_n3A_552, %select_n3A_459 : vector<16xi1>, vector<16xi32>
        %select_n3A_557 = arith.select %gt3A_553, %select_n3A_459, %select_n3A_552 : vector<16xi1>, vector<16xi32>
        %gt3A_558 = arith.cmpf ogt, %min3A_555, %max3A_462 : vector<16xf32>
        %max3A_559 = arith.maximumf %min3A_555, %max3A_462 : vector<16xf32>
        %min3A_560 = arith.minimumf %min3A_555, %max3A_462 : vector<16xf32>
        %select_n3A_561 = arith.select %gt3A_558, %select_n3A_557, %select_n3A_464 : vector<16xi1>, vector<16xi32>
        %select_n3A_562 = arith.select %gt3A_558, %select_n3A_464, %select_n3A_557 : vector<16xi1>, vector<16xi32>
        %gt3A_563 = arith.cmpf ogt, %min3A_560, %max3A_467 : vector<16xf32>
        %max3A_564 = arith.maximumf %min3A_560, %max3A_467 : vector<16xf32>
        %min3A_565 = arith.minimumf %min3A_560, %max3A_467 : vector<16xf32>
        %select_n3A_566 = arith.select %gt3A_563, %select_n3A_562, %select_n3A_469 : vector<16xi1>, vector<16xi32>
        %select_n3A_567 = arith.select %gt3A_563, %select_n3A_469, %select_n3A_562 : vector<16xi1>, vector<16xi32>
        %gt3A_568 = arith.cmpf ogt, %min3A_565, %max3A_472 : vector<16xf32>
        %max3A_569 = arith.maximumf %min3A_565, %max3A_472 : vector<16xf32>
        %min3A_570 = arith.minimumf %min3A_565, %max3A_472 : vector<16xf32>
        %select_n3A_571 = arith.select %gt3A_568, %select_n3A_567, %select_n3A_474 : vector<16xi1>, vector<16xi32>
        %select_n3A_572 = arith.select %gt3A_568, %select_n3A_474, %select_n3A_567 : vector<16xi1>, vector<16xi32>
        %scan3A_573 = arith.constant 3 : i32
        %scan3A_574 = arith.addi %scan3A_255, %scan3A_573 : i32
        %broadcast_in_dim3A_575 = vector.broadcast %scan3A_574 : i32 to vector<16xi32>
        %add3A_576 = arith.constant 0 : i32
        %add3A_577 = arith.addi %mul3A_45, %add3A_576 : i32
        %mul3A_578 = arith.constant 16 : i32
        %mul3A_579 = arith.muli %add3A_577, %mul3A_578 : i32
        %get3A_580 = arith.index_cast %scan3A_574 : i32 to index
        %get3A_581 = arith.index_cast %mul3A_579 : i32 to index
        %get3A_582 = tpu.vector_load %arg5[%get3A_580, %get3A_581] {strides = array<i32>} : memref<64x256xf32, #tpu.memory_space<vmem>>, vector<16xf32>,
        %gt3A_583 = arith.cmpf ogt, %get3A_582, %max3A_487 : vector<16xf32>
        %max3A_584 = arith.maximumf %get3A_582, %max3A_487 : vector<16xf32>
        %min3A_585 = arith.minimumf %get3A_582, %max3A_487 : vector<16xf32>
        %select_n3A_586 = arith.select %gt3A_583, %broadcast_in_dim3A_575, %select_n3A_489 : vector<16xi1>, vector<16xi32>
        %select_n3A_587 = arith.select %gt3A_583, %select_n3A_489, %broadcast_in_dim3A_575 : vector<16xi1>, vector<16xi32>
        %gt3A_588 = arith.cmpf ogt, %min3A_585, %max3A_492 : vector<16xf32>
        %max3A_589 = arith.maximumf %min3A_585, %max3A_492 : vector<16xf32>
        %min3A_590 = arith.minimumf %min3A_585, %max3A_492 : vector<16xf32>
        %select_n3A_591 = arith.select %gt3A_588, %select_n3A_587, %select_n3A_494 : vector<16xi1>, vector<16xi32>
        %select_n3A_592 = arith.select %gt3A_588, %select_n3A_494, %select_n3A_587 : vector<16xi1>, vector<16xi32>
        %gt3A_593 = arith.cmpf ogt, %min3A_590, %max3A_497 : vector<16xf32>
        %max3A_594 = arith.maximumf %min3A_590, %max3A_497 : vector<16xf32>
        %min3A_595 = arith.minimumf %min3A_590, %max3A_497 : vector<16xf32>
        %select_n3A_596 = arith.select %gt3A_593, %select_n3A_592, %select_n3A_499 : vector<16xi1>, vector<16xi32>
        %select_n3A_597 = arith.select %gt3A_593, %select_n3A_499, %select_n3A_592 : vector<16xi1>, vector<16xi32>
        %gt3A_598 = arith.cmpf ogt, %min3A_595, %max3A_502 : vector<16xf32>
        %max3A_599 = arith.maximumf %min3A_595, %max3A_502 : vector<16xf32>
        %min3A_600 = arith.minimumf %min3A_595, %max3A_502 : vector<16xf32>
        %select_n3A_601 = arith.select %gt3A_598, %select_n3A_597, %select_n3A_504 : vector<16xi1>, vector<16xi32>
        %select_n3A_602 = arith.select %gt3A_598, %select_n3A_504, %select_n3A_597 : vector<16xi1>, vector<16xi32>
        %gt3A_603 = arith.cmpf ogt, %min3A_600, %max3A_507 : vector<16xf32>
        %max3A_604 = arith.maximumf %min3A_600, %max3A_507 : vector<16xf32>
        %min3A_605 = arith.minimumf %min3A_600, %max3A_507 : vector<16xf32>
        %select_n3A_606 = arith.select %gt3A_603, %select_n3A_602, %select_n3A_509 : vector<16xi1>, vector<16xi32>
        %select_n3A_607 = arith.select %gt3A_603, %select_n3A_509, %select_n3A_602 : vector<16xi1>, vector<16xi32>
        %gt3A_608 = arith.cmpf ogt, %min3A_605, %max3A_512 : vector<16xf32>
        %max3A_609 = arith.maximumf %min3A_605, %max3A_512 : vector<16xf32>
        %min3A_610 = arith.minimumf %min3A_605, %max3A_512 : vector<16xf32>
        %select_n3A_611 = arith.select %gt3A_608, %select_n3A_607, %select_n3A_514 : vector<16xi1>, vector<16xi32>
        %select_n3A_612 = arith.select %gt3A_608, %select_n3A_514, %select_n3A_607 : vector<16xi1>, vector<16xi32>
        %gt3A_613 = arith.cmpf ogt, %min3A_610, %max3A_517 : vector<16xf32>
        %max3A_614 = arith.maximumf %min3A_610, %max3A_517 : vector<16xf32>
        %min3A_615 = arith.minimumf %min3A_610, %max3A_517 : vector<16xf32>
        %select_n3A_616 = arith.select %gt3A_613, %select_n3A_612, %select_n3A_519 : vector<16xi1>, vector<16xi32>
        %select_n3A_617 = arith.select %gt3A_613, %select_n3A_519, %select_n3A_612 : vector<16xi1>, vector<16xi32>
        %gt3A_618 = arith.cmpf ogt, %min3A_615, %max3A_522 : vector<16xf32>
        %max3A_619 = arith.maximumf %min3A_615, %max3A_522 : vector<16xf32>
        %min3A_620 = arith.minimumf %min3A_615, %max3A_522 : vector<16xf32>
        %select_n3A_621 = arith.select %gt3A_618, %select_n3A_617, %select_n3A_524 : vector<16xi1>, vector<16xi32>
        %select_n3A_622 = arith.select %gt3A_618, %select_n3A_524, %select_n3A_617 : vector<16xi1>, vector<16xi32>
        %add3A_623 = arith.constant 1 : i32
        %add3A_624 = arith.addi %mul3A_45, %add3A_623 : i32
        %mul3A_625 = arith.constant 16 : i32
        %mul3A_626 = arith.muli %add3A_624, %mul3A_625 : i32
        %get3A_627 = arith.index_cast %scan3A_574 : i32 to index
        %get3A_628 = arith.index_cast %mul3A_626 : i32 to index
        %get3A_629 = tpu.vector_load %arg5[%get3A_627, %get3A_628] {strides = array<i32>} : memref<64x256xf32, #tpu.memory_space<vmem>>, vector<16xf32>,
        %gt3A_630 = arith.cmpf ogt, %get3A_629, %max3A_534 : vector<16xf32>
        %max3A_631 = arith.maximumf %get3A_629, %max3A_534 : vector<16xf32>
        %min3A_632 = arith.minimumf %get3A_629, %max3A_534 : vector<16xf32>
        %select_n3A_633 = arith.select %gt3A_630, %broadcast_in_dim3A_575, %select_n3A_536 : vector<16xi1>, vector<16xi32>
        %select_n3A_634 = arith.select %gt3A_630, %select_n3A_536, %broadcast_in_dim3A_575 : vector<16xi1>, vector<16xi32>
        %gt3A_635 = arith.cmpf ogt, %min3A_632, %max3A_539 : vector<16xf32>
        %max3A_636 = arith.maximumf %min3A_632, %max3A_539 : vector<16xf32>
        %min3A_637 = arith.minimumf %min3A_632, %max3A_539 : vector<16xf32>
        %select_n3A_638 = arith.select %gt3A_635, %select_n3A_634, %select_n3A_541 : vector<16xi1>, vector<16xi32>
        %select_n3A_639 = arith.select %gt3A_635, %select_n3A_541, %select_n3A_634 : vector<16xi1>, vector<16xi32>
        %gt3A_640 = arith.cmpf ogt, %min3A_637, %max3A_544 : vector<16xf32>
        %max3A_641 = arith.maximumf %min3A_637, %max3A_544 : vector<16xf32>
        %min3A_642 = arith.minimumf %min3A_637, %max3A_544 : vector<16xf32>
        %select_n3A_643 = arith.select %gt3A_640, %select_n3A_639, %select_n3A_546 : vector<16xi1>, vector<16xi32>
        %select_n3A_644 = arith.select %gt3A_640, %select_n3A_546, %select_n3A_639 : vector<16xi1>, vector<16xi32>
        %gt3A_645 = arith.cmpf ogt, %min3A_642, %max3A_549 : vector<16xf32>
        %max3A_646 = arith.maximumf %min3A_642, %max3A_549 : vector<16xf32>
        %min3A_647 = arith.minimumf %min3A_642, %max3A_549 : vector<16xf32>
        %select_n3A_648 = arith.select %gt3A_645, %select_n3A_644, %select_n3A_551 : vector<16xi1>, vector<16xi32>
        %select_n3A_649 = arith.select %gt3A_645, %select_n3A_551, %select_n3A_644 : vector<16xi1>, vector<16xi32>
        %gt3A_650 = arith.cmpf ogt, %min3A_647, %max3A_554 : vector<16xf32>
        %max3A_651 = arith.maximumf %min3A_647, %max3A_554 : vector<16xf32>
        %min3A_652 = arith.minimumf %min3A_647, %max3A_554 : vector<16xf32>
        %select_n3A_653 = arith.select %gt3A_650, %select_n3A_649, %select_n3A_556 : vector<16xi1>, vector<16xi32>
        %select_n3A_654 = arith.select %gt3A_650, %select_n3A_556, %select_n3A_649 : vector<16xi1>, vector<16xi32>
        %gt3A_655 = arith.cmpf ogt, %min3A_652, %max3A_559 : vector<16xf32>
        %max3A_656 = arith.maximumf %min3A_652, %max3A_559 : vector<16xf32>
        %min3A_657 = arith.minimumf %min3A_652, %max3A_559 : vector<16xf32>
        %select_n3A_658 = arith.select %gt3A_655, %select_n3A_654, %select_n3A_561 : vector<16xi1>, vector<16xi32>
        %select_n3A_659 = arith.select %gt3A_655, %select_n3A_561, %select_n3A_654 : vector<16xi1>, vector<16xi32>
        %gt3A_660 = arith.cmpf ogt, %min3A_657, %max3A_564 : vector<16xf32>
        %max3A_661 = arith.maximumf %min3A_657, %max3A_564 : vector<16xf32>
        %min3A_662 = arith.minimumf %min3A_657, %max3A_564 : vector<16xf32>
        %select_n3A_663 = arith.select %gt3A_660, %select_n3A_659, %select_n3A_566 : vector<16xi1>, vector<16xi32>
        %select_n3A_664 = arith.select %gt3A_660, %select_n3A_566, %select_n3A_659 : vector<16xi1>, vector<16xi32>
        %gt3A_665 = arith.cmpf ogt, %min3A_662, %max3A_569 : vector<16xf32>
        %max3A_666 = arith.maximumf %min3A_662, %max3A_569 : vector<16xf32>
        %min3A_667 = arith.minimumf %min3A_662, %max3A_569 : vector<16xf32>
        %select_n3A_668 = arith.select %gt3A_665, %select_n3A_664, %select_n3A_571 : vector<16xi1>, vector<16xi32>
        %select_n3A_669 = arith.select %gt3A_665, %select_n3A_571, %select_n3A_664 : vector<16xi1>, vector<16xi32>
        %scan3A_670 = arith.constant 4 : i32
        %scan3A_671 = arith.addi %scan3A_255, %scan3A_670 : i32
        %broadcast_in_dim3A_672 = vector.broadcast %scan3A_671 : i32 to vector<16xi32>
        %add3A_673 = arith.constant 0 : i32
        %add3A_674 = arith.addi %mul3A_45, %add3A_673 : i32
        %mul3A_675 = arith.constant 16 : i32
        %mul3A_676 = arith.muli %add3A_674, %mul3A_675 : i32
        %get3A_677 = arith.index_cast %scan3A_671 : i32 to index
        %get3A_678 = arith.index_cast %mul3A_676 : i32 to index
        %get3A_679 = tpu.vector_load %arg5[%get3A_677, %get3A_678] {strides = array<i32>} : memref<64x256xf32, #tpu.memory_space<vmem>>, vector<16xf32>,
        %gt3A_680 = arith.cmpf ogt, %get3A_679, %max3A_584 : vector<16xf32>
        %max3A_681 = arith.maximumf %get3A_679, %max3A_584 : vector<16xf32>
        %min3A_682 = arith.minimumf %get3A_679, %max3A_584 : vector<16xf32>
        %select_n3A_683 = arith.select %gt3A_680, %broadcast_in_dim3A_672, %select_n3A_586 : vector<16xi1>, vector<16xi32>
        %select_n3A_684 = arith.select %gt3A_680, %select_n3A_586, %broadcast_in_dim3A_672 : vector<16xi1>, vector<16xi32>
        %gt3A_685 = arith.cmpf ogt, %min3A_682, %max3A_589 : vector<16xf32>
        %max3A_686 = arith.maximumf %min3A_682, %max3A_589 : vector<16xf32>
        %min3A_687 = arith.minimumf %min3A_682, %max3A_589 : vector<16xf32>
        %select_n3A_688 = arith.select %gt3A_685, %select_n3A_684, %select_n3A_591 : vector<16xi1>, vector<16xi32>
        %select_n3A_689 = arith.select %gt3A_685, %select_n3A_591, %select_n3A_684 : vector<16xi1>, vector<16xi32>
        %gt3A_690 = arith.cmpf ogt, %min3A_687, %max3A_594 : vector<16xf32>
        %max3A_691 = arith.maximumf %min3A_687, %max3A_594 : vector<16xf32>
        %min3A_692 = arith.minimumf %min3A_687, %max3A_594 : vector<16xf32>
        %select_n3A_693 = arith.select %gt3A_690, %select_n3A_689, %select_n3A_596 : vector<16xi1>, vector<16xi32>
        %select_n3A_694 = arith.select %gt3A_690, %select_n3A_596, %select_n3A_689 : vector<16xi1>, vector<16xi32>
        %gt3A_695 = arith.cmpf ogt, %min3A_692, %max3A_599 : vector<16xf32>
        %max3A_696 = arith.maximumf %min3A_692, %max3A_599 : vector<16xf32>
        %min3A_697 = arith.minimumf %min3A_692, %max3A_599 : vector<16xf32>
        %select_n3A_698 = arith.select %gt3A_695, %select_n3A_694, %select_n3A_601 : vector<16xi1>, vector<16xi32>
        %select_n3A_699 = arith.select %gt3A_695, %select_n3A_601, %select_n3A_694 : vector<16xi1>, vector<16xi32>
        %gt3A_700 = arith.cmpf ogt, %min3A_697, %max3A_604 : vector<16xf32>
        %max3A_701 = arith.maximumf %min3A_697, %max3A_604 : vector<16xf32>
        %min3A_702 = arith.minimumf %min3A_697, %max3A_604 : vector<16xf32>
        %select_n3A_703 = arith.select %gt3A_700, %select_n3A_699, %select_n3A_606 : vector<16xi1>, vector<16xi32>
        %select_n3A_704 = arith.select %gt3A_700, %select_n3A_606, %select_n3A_699 : vector<16xi1>, vector<16xi32>
        %gt3A_705 = arith.cmpf ogt, %min3A_702, %max3A_609 : vector<16xf32>
        %max3A_706 = arith.maximumf %min3A_702, %max3A_609 : vector<16xf32>
        %min3A_707 = arith.minimumf %min3A_702, %max3A_609 : vector<16xf32>
        %select_n3A_708 = arith.select %gt3A_705, %select_n3A_704, %select_n3A_611 : vector<16xi1>, vector<16xi32>
        %select_n3A_709 = arith.select %gt3A_705, %select_n3A_611, %select_n3A_704 : vector<16xi1>, vector<16xi32>
        %gt3A_710 = arith.cmpf ogt, %min3A_707, %max3A_614 : vector<16xf32>
        %max3A_711 = arith.maximumf %min3A_707, %max3A_614 : vector<16xf32>
        %min3A_712 = arith.minimumf %min3A_707, %max3A_614 : vector<16xf32>
        %select_n3A_713 = arith.select %gt3A_710, %select_n3A_709, %select_n3A_616 : vector<16xi1>, vector<16xi32>
        %select_n3A_714 = arith.select %gt3A_710, %select_n3A_616, %select_n3A_709 : vector<16xi1>, vector<16xi32>
        %gt3A_715 = arith.cmpf ogt, %min3A_712, %max3A_619 : vector<16xf32>
        %max3A_716 = arith.maximumf %min3A_712, %max3A_619 : vector<16xf32>
        %min3A_717 = arith.minimumf %min3A_712, %max3A_619 : vector<16xf32>
        %select_n3A_718 = arith.select %gt3A_715, %select_n3A_714, %select_n3A_621 : vector<16xi1>, vector<16xi32>
        %select_n3A_719 = arith.select %gt3A_715, %select_n3A_621, %select_n3A_714 : vector<16xi1>, vector<16xi32>
        %add3A_720 = arith.constant 1 : i32
        %add3A_721 = arith.addi %mul3A_45, %add3A_720 : i32
        %mul3A_722 = arith.constant 16 : i32
        %mul3A_723 = arith.muli %add3A_721, %mul3A_722 : i32
        %get3A_724 = arith.index_cast %scan3A_671 : i32 to index
        %get3A_725 = arith.index_cast %mul3A_723 : i32 to index
        %get3A_726 = tpu.vector_load %arg5[%get3A_724, %get3A_725] {strides = array<i32>} : memref<64x256xf32, #tpu.memory_space<vmem>>, vector<16xf32>,
        %gt3A_727 = arith.cmpf ogt, %get3A_726, %max3A_631 : vector<16xf32>
        %max3A_728 = arith.maximumf %get3A_726, %max3A_631 : vector<16xf32>
        %min3A_729 = arith.minimumf %get3A_726, %max3A_631 : vector<16xf32>
        %select_n3A_730 = arith.select %gt3A_727, %broadcast_in_dim3A_672, %select_n3A_633 : vector<16xi1>, vector<16xi32>
        %select_n3A_731 = arith.select %gt3A_727, %select_n3A_633, %broadcast_in_dim3A_672 : vector<16xi1>, vector<16xi32>
        %gt3A_732 = arith.cmpf ogt, %min3A_729, %max3A_636 : vector<16xf32>
        %max3A_733 = arith.maximumf %min3A_729, %max3A_636 : vector<16xf32>
        %min3A_734 = arith.minimumf %min3A_729, %max3A_636 : vector<16xf32>
        %select_n3A_735 = arith.select %gt3A_732, %select_n3A_731, %select_n3A_638 : vector<16xi1>, vector<16xi32>
        %select_n3A_736 = arith.select %gt3A_732, %select_n3A_638, %select_n3A_731 : vector<16xi1>, vector<16xi32>
        %gt3A_737 = arith.cmpf ogt, %min3A_734, %max3A_641 : vector<16xf32>
        %max3A_738 = arith.maximumf %min3A_734, %max3A_641 : vector<16xf32>
        %min3A_739 = arith.minimumf %min3A_734, %max3A_641 : vector<16xf32>
        %select_n3A_740 = arith.select %gt3A_737, %select_n3A_736, %select_n3A_643 : vector<16xi1>, vector<16xi32>
        %select_n3A_741 = arith.select %gt3A_737, %select_n3A_643, %select_n3A_736 : vector<16xi1>, vector<16xi32>
        %gt3A_742 = arith.cmpf ogt, %min3A_739, %max3A_646 : vector<16xf32>
        %max3A_743 = arith.maximumf %min3A_739, %max3A_646 : vector<16xf32>
        %min3A_744 = arith.minimumf %min3A_739, %max3A_646 : vector<16xf32>
        %select_n3A_745 = arith.select %gt3A_742, %select_n3A_741, %select_n3A_648 : vector<16xi1>, vector<16xi32>
        %select_n3A_746 = arith.select %gt3A_742, %select_n3A_648, %select_n3A_741 : vector<16xi1>, vector<16xi32>
        %gt3A_747 = arith.cmpf ogt, %min3A_744, %max3A_651 : vector<16xf32>
        %max3A_748 = arith.maximumf %min3A_744, %max3A_651 : vector<16xf32>
        %min3A_749 = arith.minimumf %min3A_744, %max3A_651 : vector<16xf32>
        %select_n3A_750 = arith.select %gt3A_747, %select_n3A_746, %select_n3A_653 : vector<16xi1>, vector<16xi32>
        %select_n3A_751 = arith.select %gt3A_747, %select_n3A_653, %select_n3A_746 : vector<16xi1>, vector<16xi32>
        %gt3A_752 = arith.cmpf ogt, %min3A_749, %max3A_656 : vector<16xf32>
        %max3A_753 = arith.maximumf %min3A_749, %max3A_656 : vector<16xf32>
        %min3A_754 = arith.minimumf %min3A_749, %max3A_656 : vector<16xf32>
        %select_n3A_755 = arith.select %gt3A_752, %select_n3A_751, %select_n3A_658 : vector<16xi1>, vector<16xi32>
        %select_n3A_756 = arith.select %gt3A_752, %select_n3A_658, %select_n3A_751 : vector<16xi1>, vector<16xi32>
        %gt3A_757 = arith.cmpf ogt, %min3A_754, %max3A_661 : vector<16xf32>
        %max3A_758 = arith.maximumf %min3A_754, %max3A_661 : vector<16xf32>
        %min3A_759 = arith.minimumf %min3A_754, %max3A_661 : vector<16xf32>
        %select_n3A_760 = arith.select %gt3A_757, %select_n3A_756, %select_n3A_663 : vector<16xi1>, vector<16xi32>
        %select_n3A_761 = arith.select %gt3A_757, %select_n3A_663, %select_n3A_756 : vector<16xi1>, vector<16xi32>
        %gt3A_762 = arith.cmpf ogt, %min3A_759, %max3A_666 : vector<16xf32>
        %max3A_763 = arith.maximumf %min3A_759, %max3A_666 : vector<16xf32>
        %min3A_764 = arith.minimumf %min3A_759, %max3A_666 : vector<16xf32>
        %select_n3A_765 = arith.select %gt3A_762, %select_n3A_761, %select_n3A_668 : vector<16xi1>, vector<16xi32>
        %select_n3A_766 = arith.select %gt3A_762, %select_n3A_668, %select_n3A_761 : vector<16xi1>, vector<16xi32>
        %scan3A_767 = arith.constant 5 : i32
        %scan3A_768 = arith.addi %scan3A_255, %scan3A_767 : i32
        %broadcast_in_dim3A_769 = vector.broadcast %scan3A_768 : i32 to vector<16xi32>
        %add3A_770 = arith.constant 0 : i32
        %add3A_771 = arith.addi %mul3A_45, %add3A_770 : i32
        %mul3A_772 = arith.constant 16 : i32
        %mul3A_773 = arith.muli %add3A_771, %mul3A_772 : i32
        %get3A_774 = arith.index_cast %scan3A_768 : i32 to index
        %get3A_775 = arith.index_cast %mul3A_773 : i32 to index
        %get3A_776 = tpu.vector_load %arg5[%get3A_774, %get3A_775] {strides = array<i32>} : memref<64x256xf32, #tpu.memory_space<vmem>>, vector<16xf32>,
        %gt3A_777 = arith.cmpf ogt, %get3A_776, %max3A_681 : vector<16xf32>
        %max3A_778 = arith.maximumf %get3A_776, %max3A_681 : vector<16xf32>
        %min3A_779 = arith.minimumf %get3A_776, %max3A_681 : vector<16xf32>
        %select_n3A_780 = arith.select %gt3A_777, %broadcast_in_dim3A_769, %select_n3A_683 : vector<16xi1>, vector<16xi32>
        %select_n3A_781 = arith.select %gt3A_777, %select_n3A_683, %broadcast_in_dim3A_769 : vector<16xi1>, vector<16xi32>
        %gt3A_782 = arith.cmpf ogt, %min3A_779, %max3A_686 : vector<16xf32>
        %max3A_783 = arith.maximumf %min3A_779, %max3A_686 : vector<16xf32>
        %min3A_784 = arith.minimumf %min3A_779, %max3A_686 : vector<16xf32>
        %select_n3A_785 = arith.select %gt3A_782, %select_n3A_781, %select_n3A_688 : vector<16xi1>, vector<16xi32>
        %select_n3A_786 = arith.select %gt3A_782, %select_n3A_688, %select_n3A_781 : vector<16xi1>, vector<16xi32>
        %gt3A_787 = arith.cmpf ogt, %min3A_784, %max3A_691 : vector<16xf32>
        %max3A_788 = arith.maximumf %min3A_784, %max3A_691 : vector<16xf32>
        %min3A_789 = arith.minimumf %min3A_784, %max3A_691 : vector<16xf32>
        %select_n3A_790 = arith.select %gt3A_787, %select_n3A_786, %select_n3A_693 : vector<16xi1>, vector<16xi32>
        %select_n3A_791 = arith.select %gt3A_787, %select_n3A_693, %select_n3A_786 : vector<16xi1>, vector<16xi32>
        %gt3A_792 = arith.cmpf ogt, %min3A_789, %max3A_696 : vector<16xf32>
        %max3A_793 = arith.maximumf %min3A_789, %max3A_696 : vector<16xf32>
        %min3A_794 = arith.minimumf %min3A_789, %max3A_696 : vector<16xf32>
        %select_n3A_795 = arith.select %gt3A_792, %select_n3A_791, %select_n3A_698 : vector<16xi1>, vector<16xi32>
        %select_n3A_796 = arith.select %gt3A_792, %select_n3A_698, %select_n3A_791 : vector<16xi1>, vector<16xi32>
        %gt3A_797 = arith.cmpf ogt, %min3A_794, %max3A_701 : vector<16xf32>
        %max3A_798 = arith.maximumf %min3A_794, %max3A_701 : vector<16xf32>
        %min3A_799 = arith.minimumf %min3A_794, %max3A_701 : vector<16xf32>
        %select_n3A_800 = arith.select %gt3A_797, %select_n3A_796, %select_n3A_703 : vector<16xi1>, vector<16xi32>
        %select_n3A_801 = arith.select %gt3A_797, %select_n3A_703, %select_n3A_796 : vector<16xi1>, vector<16xi32>
        %gt3A_802 = arith.cmpf ogt, %min3A_799, %max3A_706 : vector<16xf32>
        %max3A_803 = arith.maximumf %min3A_799, %max3A_706 : vector<16xf32>
        %min3A_804 = arith.minimumf %min3A_799, %max3A_706 : vector<16xf32>
        %select_n3A_805 = arith.select %gt3A_802, %select_n3A_801, %select_n3A_708 : vector<16xi1>, vector<16xi32>
        %select_n3A_806 = arith.select %gt3A_802, %select_n3A_708, %select_n3A_801 : vector<16xi1>, vector<16xi32>
        %gt3A_807 = arith.cmpf ogt, %min3A_804, %max3A_711 : vector<16xf32>
        %max3A_808 = arith.maximumf %min3A_804, %max3A_711 : vector<16xf32>
        %min3A_809 = arith.minimumf %min3A_804, %max3A_711 : vector<16xf32>
        %select_n3A_810 = arith.select %gt3A_807, %select_n3A_806, %select_n3A_713 : vector<16xi1>, vector<16xi32>
        %select_n3A_811 = arith.select %gt3A_807, %select_n3A_713, %select_n3A_806 : vector<16xi1>, vector<16xi32>
        %gt3A_812 = arith.cmpf ogt, %min3A_809, %max3A_716 : vector<16xf32>
        %max3A_813 = arith.maximumf %min3A_809, %max3A_716 : vector<16xf32>
        %min3A_814 = arith.minimumf %min3A_809, %max3A_716 : vector<16xf32>
        %select_n3A_815 = arith.select %gt3A_812, %select_n3A_811, %select_n3A_718 : vector<16xi1>, vector<16xi32>
        %select_n3A_816 = arith.select %gt3A_812, %select_n3A_718, %select_n3A_811 : vector<16xi1>, vector<16xi32>
        %add3A_817 = arith.constant 1 : i32
        %add3A_818 = arith.addi %mul3A_45, %add3A_817 : i32
        %mul3A_819 = arith.constant 16 : i32
        %mul3A_820 = arith.muli %add3A_818, %mul3A_819 : i32
        %get3A_821 = arith.index_cast %scan3A_768 : i32 to index
        %get3A_822 = arith.index_cast %mul3A_820 : i32 to index
        %get3A_823 = tpu.vector_load %arg5[%get3A_821, %get3A_822] {strides = array<i32>} : memref<64x256xf32, #tpu.memory_space<vmem>>, vector<16xf32>,
        %gt3A_824 = arith.cmpf ogt, %get3A_823, %max3A_728 : vector<16xf32>
        %max3A_825 = arith.maximumf %get3A_823, %max3A_728 : vector<16xf32>
        %min3A_826 = arith.minimumf %get3A_823, %max3A_728 : vector<16xf32>
        %select_n3A_827 = arith.select %gt3A_824, %broadcast_in_dim3A_769, %select_n3A_730 : vector<16xi1>, vector<16xi32>
        %select_n3A_828 = arith.select %gt3A_824, %select_n3A_730, %broadcast_in_dim3A_769 : vector<16xi1>, vector<16xi32>
        %gt3A_829 = arith.cmpf ogt, %min3A_826, %max3A_733 : vector<16xf32>
        %max3A_830 = arith.maximumf %min3A_826, %max3A_733 : vector<16xf32>
        %min3A_831 = arith.minimumf %min3A_826, %max3A_733 : vector<16xf32>
        %select_n3A_832 = arith.select %gt3A_829, %select_n3A_828, %select_n3A_735 : vector<16xi1>, vector<16xi32>
        %select_n3A_833 = arith.select %gt3A_829, %select_n3A_735, %select_n3A_828 : vector<16xi1>, vector<16xi32>
        %gt3A_834 = arith.cmpf ogt, %min3A_831, %max3A_738 : vector<16xf32>
        %max3A_835 = arith.maximumf %min3A_831, %max3A_738 : vector<16xf32>
        %min3A_836 = arith.minimumf %min3A_831, %max3A_738 : vector<16xf32>
        %select_n3A_837 = arith.select %gt3A_834, %select_n3A_833, %select_n3A_740 : vector<16xi1>, vector<16xi32>
        %select_n3A_838 = arith.select %gt3A_834, %select_n3A_740, %select_n3A_833 : vector<16xi1>, vector<16xi32>
        %gt3A_839 = arith.cmpf ogt, %min3A_836, %max3A_743 : vector<16xf32>
        %max3A_840 = arith.maximumf %min3A_836, %max3A_743 : vector<16xf32>
        %min3A_841 = arith.minimumf %min3A_836, %max3A_743 : vector<16xf32>
        %select_n3A_842 = arith.select %gt3A_839, %select_n3A_838, %select_n3A_745 : vector<16xi1>, vector<16xi32>
        %select_n3A_843 = arith.select %gt3A_839, %select_n3A_745, %select_n3A_838 : vector<16xi1>, vector<16xi32>
        %gt3A_844 = arith.cmpf ogt, %min3A_841, %max3A_748 : vector<16xf32>
        %max3A_845 = arith.maximumf %min3A_841, %max3A_748 : vector<16xf32>
        %min3A_846 = arith.minimumf %min3A_841, %max3A_748 : vector<16xf32>
        %select_n3A_847 = arith.select %gt3A_844, %select_n3A_843, %select_n3A_750 : vector<16xi1>, vector<16xi32>
        %select_n3A_848 = arith.select %gt3A_844, %select_n3A_750, %select_n3A_843 : vector<16xi1>, vector<16xi32>
        %gt3A_849 = arith.cmpf ogt, %min3A_846, %max3A_753 : vector<16xf32>
        %max3A_850 = arith.maximumf %min3A_846, %max3A_753 : vector<16xf32>
        %min3A_851 = arith.minimumf %min3A_846, %max3A_753 : vector<16xf32>
        %select_n3A_852 = arith.select %gt3A_849, %select_n3A_848, %select_n3A_755 : vector<16xi1>, vector<16xi32>
        %select_n3A_853 = arith.select %gt3A_849, %select_n3A_755, %select_n3A_848 : vector<16xi1>, vector<16xi32>
        %gt3A_854 = arith.cmpf ogt, %min3A_851, %max3A_758 : vector<16xf32>
        %max3A_855 = arith.maximumf %min3A_851, %max3A_758 : vector<16xf32>
        %min3A_856 = arith.minimumf %min3A_851, %max3A_758 : vector<16xf32>
        %select_n3A_857 = arith.select %gt3A_854, %select_n3A_853, %select_n3A_760 : vector<16xi1>, vector<16xi32>
        %select_n3A_858 = arith.select %gt3A_854, %select_n3A_760, %select_n3A_853 : vector<16xi1>, vector<16xi32>
        %gt3A_859 = arith.cmpf ogt, %min3A_856, %max3A_763 : vector<16xf32>
        %max3A_860 = arith.maximumf %min3A_856, %max3A_763 : vector<16xf32>
        %min3A_861 = arith.minimumf %min3A_856, %max3A_763 : vector<16xf32>
        %select_n3A_862 = arith.select %gt3A_859, %select_n3A_858, %select_n3A_765 : vector<16xi1>, vector<16xi32>
        %select_n3A_863 = arith.select %gt3A_859, %select_n3A_765, %select_n3A_858 : vector<16xi1>, vector<16xi32>
        %scan3A_864 = arith.constant 6 : i32
        %scan3A_865 = arith.addi %scan3A_255, %scan3A_864 : i32
        %broadcast_in_dim3A_866 = vector.broadcast %scan3A_865 : i32 to vector<16xi32>
        %add3A_867 = arith.constant 0 : i32
        %add3A_868 = arith.addi %mul3A_45, %add3A_867 : i32
        %mul3A_869 = arith.constant 16 : i32
        %mul3A_870 = arith.muli %add3A_868, %mul3A_869 : i32
        %get3A_871 = arith.index_cast %scan3A_865 : i32 to index
        %get3A_872 = arith.index_cast %mul3A_870 : i32 to index
        %get3A_873 = tpu.vector_load %arg5[%get3A_871, %get3A_872] {strides = array<i32>} : memref<64x256xf32, #tpu.memory_space<vmem>>, vector<16xf32>,
        %gt3A_874 = arith.cmpf ogt, %get3A_873, %max3A_778 : vector<16xf32>
        %max3A_875 = arith.maximumf %get3A_873, %max3A_778 : vector<16xf32>
        %min3A_876 = arith.minimumf %get3A_873, %max3A_778 : vector<16xf32>
        %select_n3A_877 = arith.select %gt3A_874, %broadcast_in_dim3A_866, %select_n3A_780 : vector<16xi1>, vector<16xi32>
        %select_n3A_878 = arith.select %gt3A_874, %select_n3A_780, %broadcast_in_dim3A_866 : vector<16xi1>, vector<16xi32>
        %gt3A_879 = arith.cmpf ogt, %min3A_876, %max3A_783 : vector<16xf32>
        %max3A_880 = arith.maximumf %min3A_876, %max3A_783 : vector<16xf32>
        %min3A_881 = arith.minimumf %min3A_876, %max3A_783 : vector<16xf32>
        %select_n3A_882 = arith.select %gt3A_879, %select_n3A_878, %select_n3A_785 : vector<16xi1>, vector<16xi32>
        %select_n3A_883 = arith.select %gt3A_879, %select_n3A_785, %select_n3A_878 : vector<16xi1>, vector<16xi32>
        %gt3A_884 = arith.cmpf ogt, %min3A_881, %max3A_788 : vector<16xf32>
        %max3A_885 = arith.maximumf %min3A_881, %max3A_788 : vector<16xf32>
        %min3A_886 = arith.minimumf %min3A_881, %max3A_788 : vector<16xf32>
        %select_n3A_887 = arith.select %gt3A_884, %select_n3A_883, %select_n3A_790 : vector<16xi1>, vector<16xi32>
        %select_n3A_888 = arith.select %gt3A_884, %select_n3A_790, %select_n3A_883 : vector<16xi1>, vector<16xi32>
        %gt3A_889 = arith.cmpf ogt, %min3A_886, %max3A_793 : vector<16xf32>
        %max3A_890 = arith.maximumf %min3A_886, %max3A_793 : vector<16xf32>
        %min3A_891 = arith.minimumf %min3A_886, %max3A_793 : vector<16xf32>
        %select_n3A_892 = arith.select %gt3A_889, %select_n3A_888, %select_n3A_795 : vector<16xi1>, vector<16xi32>
        %select_n3A_893 = arith.select %gt3A_889, %select_n3A_795, %select_n3A_888 : vector<16xi1>, vector<16xi32>
        %gt3A_894 = arith.cmpf ogt, %min3A_891, %max3A_798 : vector<16xf32>
        %max3A_895 = arith.maximumf %min3A_891, %max3A_798 : vector<16xf32>
        %min3A_896 = arith.minimumf %min3A_891, %max3A_798 : vector<16xf32>
        %select_n3A_897 = arith.select %gt3A_894, %select_n3A_893, %select_n3A_800 : vector<16xi1>, vector<16xi32>
        %select_n3A_898 = arith.select %gt3A_894, %select_n3A_800, %select_n3A_893 : vector<16xi1>, vector<16xi32>
        %gt3A_899 = arith.cmpf ogt, %min3A_896, %max3A_803 : vector<16xf32>
        %max3A_900 = arith.maximumf %min3A_896, %max3A_803 : vector<16xf32>
        %min3A_901 = arith.minimumf %min3A_896, %max3A_803 : vector<16xf32>
        %select_n3A_902 = arith.select %gt3A_899, %select_n3A_898, %select_n3A_805 : vector<16xi1>, vector<16xi32>
        %select_n3A_903 = arith.select %gt3A_899, %select_n3A_805, %select_n3A_898 : vector<16xi1>, vector<16xi32>
        %gt3A_904 = arith.cmpf ogt, %min3A_901, %max3A_808 : vector<16xf32>
        %max3A_905 = arith.maximumf %min3A_901, %max3A_808 : vector<16xf32>
        %min3A_906 = arith.minimumf %min3A_901, %max3A_808 : vector<16xf32>
        %select_n3A_907 = arith.select %gt3A_904, %select_n3A_903, %select_n3A_810 : vector<16xi1>, vector<16xi32>
        %select_n3A_908 = arith.select %gt3A_904, %select_n3A_810, %select_n3A_903 : vector<16xi1>, vector<16xi32>
        %gt3A_909 = arith.cmpf ogt, %min3A_906, %max3A_813 : vector<16xf32>
        %max3A_910 = arith.maximumf %min3A_906, %max3A_813 : vector<16xf32>
        %min3A_911 = arith.minimumf %min3A_906, %max3A_813 : vector<16xf32>
        %select_n3A_912 = arith.select %gt3A_909, %select_n3A_908, %select_n3A_815 : vector<16xi1>, vector<16xi32>
        %select_n3A_913 = arith.select %gt3A_909, %select_n3A_815, %select_n3A_908 : vector<16xi1>, vector<16xi32>
        %add3A_914 = arith.constant 1 : i32
        %add3A_915 = arith.addi %mul3A_45, %add3A_914 : i32
        %mul3A_916 = arith.constant 16 : i32
        %mul3A_917 = arith.muli %add3A_915, %mul3A_916 : i32
        %get3A_918 = arith.index_cast %scan3A_865 : i32 to index
        %get3A_919 = arith.index_cast %mul3A_917 : i32 to index
        %get3A_920 = tpu.vector_load %arg5[%get3A_918, %get3A_919] {strides = array<i32>} : memref<64x256xf32, #tpu.memory_space<vmem>>, vector<16xf32>,
        %gt3A_921 = arith.cmpf ogt, %get3A_920, %max3A_825 : vector<16xf32>
        %max3A_922 = arith.maximumf %get3A_920, %max3A_825 : vector<16xf32>
        %min3A_923 = arith.minimumf %get3A_920, %max3A_825 : vector<16xf32>
        %select_n3A_924 = arith.select %gt3A_921, %broadcast_in_dim3A_866, %select_n3A_827 : vector<16xi1>, vector<16xi32>
        %select_n3A_925 = arith.select %gt3A_921, %select_n3A_827, %broadcast_in_dim3A_866 : vector<16xi1>, vector<16xi32>
        %gt3A_926 = arith.cmpf ogt, %min3A_923, %max3A_830 : vector<16xf32>
        %max3A_927 = arith.maximumf %min3A_923, %max3A_830 : vector<16xf32>
        %min3A_928 = arith.minimumf %min3A_923, %max3A_830 : vector<16xf32>
        %select_n3A_929 = arith.select %gt3A_926, %select_n3A_925, %select_n3A_832 : vector<16xi1>, vector<16xi32>
        %select_n3A_930 = arith.select %gt3A_926, %select_n3A_832, %select_n3A_925 : vector<16xi1>, vector<16xi32>
        %gt3A_931 = arith.cmpf ogt, %min3A_928, %max3A_835 : vector<16xf32>
        %max3A_932 = arith.maximumf %min3A_928, %max3A_835 : vector<16xf32>
        %min3A_933 = arith.minimumf %min3A_928, %max3A_835 : vector<16xf32>
        %select_n3A_934 = arith.select %gt3A_931, %select_n3A_930, %select_n3A_837 : vector<16xi1>, vector<16xi32>
        %select_n3A_935 = arith.select %gt3A_931, %select_n3A_837, %select_n3A_930 : vector<16xi1>, vector<16xi32>
        %gt3A_936 = arith.cmpf ogt, %min3A_933, %max3A_840 : vector<16xf32>
        %max3A_937 = arith.maximumf %min3A_933, %max3A_840 : vector<16xf32>
        %min3A_938 = arith.minimumf %min3A_933, %max3A_840 : vector<16xf32>
        %select_n3A_939 = arith.select %gt3A_936, %select_n3A_935, %select_n3A_842 : vector<16xi1>, vector<16xi32>
        %select_n3A_940 = arith.select %gt3A_936, %select_n3A_842, %select_n3A_935 : vector<16xi1>, vector<16xi32>
        %gt3A_941 = arith.cmpf ogt, %min3A_938, %max3A_845 : vector<16xf32>
        %max3A_942 = arith.maximumf %min3A_938, %max3A_845 : vector<16xf32>
        %min3A_943 = arith.minimumf %min3A_938, %max3A_845 : vector<16xf32>
        %select_n3A_944 = arith.select %gt3A_941, %select_n3A_940, %select_n3A_847 : vector<16xi1>, vector<16xi32>
        %select_n3A_945 = arith.select %gt3A_941, %select_n3A_847, %select_n3A_940 : vector<16xi1>, vector<16xi32>
        %gt3A_946 = arith.cmpf ogt, %min3A_943, %max3A_850 : vector<16xf32>
        %max3A_947 = arith.maximumf %min3A_943, %max3A_850 : vector<16xf32>
        %min3A_948 = arith.minimumf %min3A_943, %max3A_850 : vector<16xf32>
        %select_n3A_949 = arith.select %gt3A_946, %select_n3A_945, %select_n3A_852 : vector<16xi1>, vector<16xi32>
        %select_n3A_950 = arith.select %gt3A_946, %select_n3A_852, %select_n3A_945 : vector<16xi1>, vector<16xi32>
        %gt3A_951 = arith.cmpf ogt, %min3A_948, %max3A_855 : vector<16xf32>
        %max3A_952 = arith.maximumf %min3A_948, %max3A_855 : vector<16xf32>
        %min3A_953 = arith.minimumf %min3A_948, %max3A_855 : vector<16xf32>
        %select_n3A_954 = arith.select %gt3A_951, %select_n3A_950, %select_n3A_857 : vector<16xi1>, vector<16xi32>
        %select_n3A_955 = arith.select %gt3A_951, %select_n3A_857, %select_n3A_950 : vector<16xi1>, vector<16xi32>
        %gt3A_956 = arith.cmpf ogt, %min3A_953, %max3A_860 : vector<16xf32>
        %max3A_957 = arith.maximumf %min3A_953, %max3A_860 : vector<16xf32>
        %min3A_958 = arith.minimumf %min3A_953, %max3A_860 : vector<16xf32>
        %select_n3A_959 = arith.select %gt3A_956, %select_n3A_955, %select_n3A_862 : vector<16xi1>, vector<16xi32>
        %select_n3A_960 = arith.select %gt3A_956, %select_n3A_862, %select_n3A_955 : vector<16xi1>, vector<16xi32>
        %scan3A_961 = arith.constant 7 : i32
        %scan3A_962 = arith.addi %scan3A_255, %scan3A_961 : i32
        %broadcast_in_dim3A_963 = vector.broadcast %scan3A_962 : i32 to vector<16xi32>
        %add3A_964 = arith.constant 0 : i32
        %add3A_965 = arith.addi %mul3A_45, %add3A_964 : i32
        %mul3A_966 = arith.constant 16 : i32
        %mul3A_967 = arith.muli %add3A_965, %mul3A_966 : i32
        %get3A_968 = arith.index_cast %scan3A_962 : i32 to index
        %get3A_969 = arith.index_cast %mul3A_967 : i32 to index
        %get3A_970 = tpu.vector_load %arg5[%get3A_968, %get3A_969] {strides = array<i32>} : memref<64x256xf32, #tpu.memory_space<vmem>>, vector<16xf32>,
        %gt3A_971 = arith.cmpf ogt, %get3A_970, %max3A_875 : vector<16xf32>
        %max3A_972 = arith.maximumf %get3A_970, %max3A_875 : vector<16xf32>
        %min3A_973 = arith.minimumf %get3A_970, %max3A_875 : vector<16xf32>
        %select_n3A_974 = arith.select %gt3A_971, %broadcast_in_dim3A_963, %select_n3A_877 : vector<16xi1>, vector<16xi32>
        %select_n3A_975 = arith.select %gt3A_971, %select_n3A_877, %broadcast_in_dim3A_963 : vector<16xi1>, vector<16xi32>
        %gt3A_976 = arith.cmpf ogt, %min3A_973, %max3A_880 : vector<16xf32>
        %max3A_977 = arith.maximumf %min3A_973, %max3A_880 : vector<16xf32>
        %min3A_978 = arith.minimumf %min3A_973, %max3A_880 : vector<16xf32>
        %select_n3A_979 = arith.select %gt3A_976, %select_n3A_975, %select_n3A_882 : vector<16xi1>, vector<16xi32>
        %select_n3A_980 = arith.select %gt3A_976, %select_n3A_882, %select_n3A_975 : vector<16xi1>, vector<16xi32>
        %gt3A_981 = arith.cmpf ogt, %min3A_978, %max3A_885 : vector<16xf32>
        %max3A_982 = arith.maximumf %min3A_978, %max3A_885 : vector<16xf32>
        %min3A_983 = arith.minimumf %min3A_978, %max3A_885 : vector<16xf32>
        %select_n3A_984 = arith.select %gt3A_981, %select_n3A_980, %select_n3A_887 : vector<16xi1>, vector<16xi32>
        %select_n3A_985 = arith.select %gt3A_981, %select_n3A_887, %select_n3A_980 : vector<16xi1>, vector<16xi32>
        %gt3A_986 = arith.cmpf ogt, %min3A_983, %max3A_890 : vector<16xf32>
        %max3A_987 = arith.maximumf %min3A_983, %max3A_890 : vector<16xf32>
        %min3A_988 = arith.minimumf %min3A_983, %max3A_890 : vector<16xf32>
        %select_n3A_989 = arith.select %gt3A_986, %select_n3A_985, %select_n3A_892 : vector<16xi1>, vector<16xi32>
        %select_n3A_990 = arith.select %gt3A_986, %select_n3A_892, %select_n3A_985 : vector<16xi1>, vector<16xi32>
        %gt3A_991 = arith.cmpf ogt, %min3A_988, %max3A_895 : vector<16xf32>
        %max3A_992 = arith.maximumf %min3A_988, %max3A_895 : vector<16xf32>
        %min3A_993 = arith.minimumf %min3A_988, %max3A_895 : vector<16xf32>
        %select_n3A_994 = arith.select %gt3A_991, %select_n3A_990, %select_n3A_897 : vector<16xi1>, vector<16xi32>
        %select_n3A_995 = arith.select %gt3A_991, %select_n3A_897, %select_n3A_990 : vector<16xi1>, vector<16xi32>
        %gt3A_996 = arith.cmpf ogt, %min3A_993, %max3A_900 : vector<16xf32>
        %max3A_997 = arith.maximumf %min3A_993, %max3A_900 : vector<16xf32>
        %min3A_998 = arith.minimumf %min3A_993, %max3A_900 : vector<16xf32>
        %select_n3A_999 = arith.select %gt3A_996, %select_n3A_995, %select_n3A_902 : vector<16xi1>, vector<16xi32>
        %select_n3A_1000 = arith.select %gt3A_996, %select_n3A_902, %select_n3A_995 : vector<16xi1>, vector<16xi32>
        %gt3A_1001 = arith.cmpf ogt, %min3A_998, %max3A_905 : vector<16xf32>
        %max3A_1002 = arith.maximumf %min3A_998, %max3A_905 : vector<16xf32>
        %min3A_1003 = arith.minimumf %min3A_998, %max3A_905 : vector<16xf32>
        %select_n3A_1004 = arith.select %gt3A_1001, %select_n3A_1000, %select_n3A_907 : vector<16xi1>, vector<16xi32>
        %select_n3A_1005 = arith.select %gt3A_1001, %select_n3A_907, %select_n3A_1000 : vector<16xi1>, vector<16xi32>
        %gt3A_1006 = arith.cmpf ogt, %min3A_1003, %max3A_910 : vector<16xf32>
        %max3A_1007 = arith.maximumf %min3A_1003, %max3A_910 : vector<16xf32>
        %min3A_1008 = arith.minimumf %min3A_1003, %max3A_910 : vector<16xf32>
        %select_n3A_1009 = arith.select %gt3A_1006, %select_n3A_1005, %select_n3A_912 : vector<16xi1>, vector<16xi32>
        %select_n3A_1010 = arith.select %gt3A_1006, %select_n3A_912, %select_n3A_1005 : vector<16xi1>, vector<16xi32>
        %add3A_1011 = arith.constant 1 : i32
        %add3A_1012 = arith.addi %mul3A_45, %add3A_1011 : i32
        %mul3A_1013 = arith.constant 16 : i32
        %mul3A_1014 = arith.muli %add3A_1012, %mul3A_1013 : i32
        %get3A_1015 = arith.index_cast %scan3A_962 : i32 to index
        %get3A_1016 = arith.index_cast %mul3A_1014 : i32 to index
        %get3A_1017 = tpu.vector_load %arg5[%get3A_1015, %get3A_1016] {strides = array<i32>} : memref<64x256xf32, #tpu.memory_space<vmem>>, vector<16xf32>,
        %gt3A_1018 = arith.cmpf ogt, %get3A_1017, %max3A_922 : vector<16xf32>
        %max3A_1019 = arith.maximumf %get3A_1017, %max3A_922 : vector<16xf32>
        %min3A_1020 = arith.minimumf %get3A_1017, %max3A_922 : vector<16xf32>
        %select_n3A_1021 = arith.select %gt3A_1018, %broadcast_in_dim3A_963, %select_n3A_924 : vector<16xi1>, vector<16xi32>
        %select_n3A_1022 = arith.select %gt3A_1018, %select_n3A_924, %broadcast_in_dim3A_963 : vector<16xi1>, vector<16xi32>
        %gt3A_1023 = arith.cmpf ogt, %min3A_1020, %max3A_927 : vector<16xf32>
        %max3A_1024 = arith.maximumf %min3A_1020, %max3A_927 : vector<16xf32>
        %min3A_1025 = arith.minimumf %min3A_1020, %max3A_927 : vector<16xf32>
        %select_n3A_1026 = arith.select %gt3A_1023, %select_n3A_1022, %select_n3A_929 : vector<16xi1>, vector<16xi32>
        %select_n3A_1027 = arith.select %gt3A_1023, %select_n3A_929, %select_n3A_1022 : vector<16xi1>, vector<16xi32>
        %gt3A_1028 = arith.cmpf ogt, %min3A_1025, %max3A_932 : vector<16xf32>
        %max3A_1029 = arith.maximumf %min3A_1025, %max3A_932 : vector<16xf32>
        %min3A_1030 = arith.minimumf %min3A_1025, %max3A_932 : vector<16xf32>
        %select_n3A_1031 = arith.select %gt3A_1028, %select_n3A_1027, %select_n3A_934 : vector<16xi1>, vector<16xi32>
        %select_n3A_1032 = arith.select %gt3A_1028, %select_n3A_934, %select_n3A_1027 : vector<16xi1>, vector<16xi32>
        %gt3A_1033 = arith.cmpf ogt, %min3A_1030, %max3A_937 : vector<16xf32>
        %max3A_1034 = arith.maximumf %min3A_1030, %max3A_937 : vector<16xf32>
        %min3A_1035 = arith.minimumf %min3A_1030, %max3A_937 : vector<16xf32>
        %select_n3A_1036 = arith.select %gt3A_1033, %select_n3A_1032, %select_n3A_939 : vector<16xi1>, vector<16xi32>
        %select_n3A_1037 = arith.select %gt3A_1033, %select_n3A_939, %select_n3A_1032 : vector<16xi1>, vector<16xi32>
        %gt3A_1038 = arith.cmpf ogt, %min3A_1035, %max3A_942 : vector<16xf32>
        %max3A_1039 = arith.maximumf %min3A_1035, %max3A_942 : vector<16xf32>
        %min3A_1040 = arith.minimumf %min3A_1035, %max3A_942 : vector<16xf32>
        %select_n3A_1041 = arith.select %gt3A_1038, %select_n3A_1037, %select_n3A_944 : vector<16xi1>, vector<16xi32>
        %select_n3A_1042 = arith.select %gt3A_1038, %select_n3A_944, %select_n3A_1037 : vector<16xi1>, vector<16xi32>
        %gt3A_1043 = arith.cmpf ogt, %min3A_1040, %max3A_947 : vector<16xf32>
        %max3A_1044 = arith.maximumf %min3A_1040, %max3A_947 : vector<16xf32>
        %min3A_1045 = arith.minimumf %min3A_1040, %max3A_947 : vector<16xf32>
        %select_n3A_1046 = arith.select %gt3A_1043, %select_n3A_1042, %select_n3A_949 : vector<16xi1>, vector<16xi32>
        %select_n3A_1047 = arith.select %gt3A_1043, %select_n3A_949, %select_n3A_1042 : vector<16xi1>, vector<16xi32>
        %gt3A_1048 = arith.cmpf ogt, %min3A_1045, %max3A_952 : vector<16xf32>
        %max3A_1049 = arith.maximumf %min3A_1045, %max3A_952 : vector<16xf32>
        %min3A_1050 = arith.minimumf %min3A_1045, %max3A_952 : vector<16xf32>
        %select_n3A_1051 = arith.select %gt3A_1048, %select_n3A_1047, %select_n3A_954 : vector<16xi1>, vector<16xi32>
        %select_n3A_1052 = arith.select %gt3A_1048, %select_n3A_954, %select_n3A_1047 : vector<16xi1>, vector<16xi32>
        %gt3A_1053 = arith.cmpf ogt, %min3A_1050, %max3A_957 : vector<16xf32>
        %max3A_1054 = arith.maximumf %min3A_1050, %max3A_957 : vector<16xf32>
        %min3A_1055 = arith.minimumf %min3A_1050, %max3A_957 : vector<16xf32>
        %select_n3A_1056 = arith.select %gt3A_1053, %select_n3A_1052, %select_n3A_959 : vector<16xi1>, vector<16xi32>
        %select_n3A_1057 = arith.select %gt3A_1053, %select_n3A_959, %select_n3A_1052 : vector<16xi1>, vector<16xi32>
        scf.yield %max3A_972, %max3A_977, %max3A_982, %max3A_987, %max3A_992, %max3A_997, %max3A_1002, %max3A_1007, %max3A_1019, %max3A_1024, %max3A_1029, %max3A_1034, %max3A_1039, %max3A_1044, %max3A_1049, %max3A_1054, %select_n3A_974, %select_n3A_979, %select_n3A_984, %select_n3A_989, %select_n3A_994, %select_n3A_999, %select_n3A_1004, %select_n3A_1009, %select_n3A_1021, %select_n3A_1026, %select_n3A_1031, %select_n3A_1036, %select_n3A_1041, %select_n3A_1046, %select_n3A_1051, %select_n3A_1056 : vector<16xf32>, vector<16xf32>, vector<16xf32>, vector<16xf32>, vector<16xf32>, vector<16xf32>, vector<16xf32>, vector<16xf32>, vector<16xf32>, vector<16xf32>, vector<16xf32>, vector<16xf32>, vector<16xf32>, vector<16xf32>, vector<16xf32>, vector<16xf32>, vector<16xi32>, vector<16xi32>, vector<16xi32>, vector<16xi32>, vector<16xi32>, vector<16xi32>, vector<16xi32>, vector<16xi32>, vector<16xi32>, vector<16xi32>, vector<16xi32>, vector<16xi32>, vector<16xi32>, vector<16xi32>, vector<16xi32>, vector<16xi32>
      }
      %scan3A_51 = arith.constant 64 : i32
      %add3A_52 = arith.constant 0 : i32
      %add3A_53 = arith.addi %mul3A_45, %add3A_52 : i32
      %mul3A_54 = arith.constant 16 : i32
      %mul3A_55 = arith.muli %add3A_53, %mul3A_54 : i32
      %sub3A_56 = arith.subf %scan3A_50#0, %scan3A_50#0 : vector<16xf32>
      %exp3A = math.exp %sub3A_56 : vector<16xf32>
      %sub3A_57 = arith.subf %scan3A_50#1, %scan3A_50#0 : vector<16xf32>
      %exp3A_58 = math.exp %sub3A_57 : vector<16xf32>
      %sub3A_59 = arith.subf %scan3A_50#2, %scan3A_50#0 : vector<16xf32>
      %exp3A_60 = math.exp %sub3A_59 : vector<16xf32>
      %sub3A_61 = arith.subf %scan3A_50#3, %scan3A_50#0 : vector<16xf32>
      %exp3A_62 = math.exp %sub3A_61 : vector<16xf32>
      %sub3A_63 = arith.subf %scan3A_50#4, %scan3A_50#0 : vector<16xf32>
      %exp3A_64 = math.exp %sub3A_63 : vector<16xf32>
      %sub3A_65 = arith.subf %scan3A_50#5, %scan3A_50#0 : vector<16xf32>
      %exp3A_66 = math.exp %sub3A_65 : vector<16xf32>
      %sub3A_67 = arith.subf %scan3A_50#6, %scan3A_50#0 : vector<16xf32>
      %exp3A_68 = math.exp %sub3A_67 : vector<16xf32>
      %sub3A_69 = arith.subf %scan3A_50#7, %scan3A_50#0 : vector<16xf32>
      %exp3A_70 = math.exp %sub3A_69 : vector<16xf32>
      %add3A_71 = arith.addf %exp3A, %exp3A_58 : vector<16xf32>
      %add3A_72 = arith.addf %add3A_71, %exp3A_60 : vector<16xf32>
      %add3A_73 = arith.addf %add3A_72, %exp3A_62 : vector<16xf32>
      %add3A_74 = arith.addf %add3A_73, %exp3A_64 : vector<16xf32>
      %add3A_75 = arith.addf %add3A_74, %exp3A_66 : vector<16xf32>
      %add3A_76 = arith.addf %add3A_75, %exp3A_68 : vector<16xf32>
      %add3A_77 = arith.addf %add3A_76, %exp3A_70 : vector<16xf32>
      %div3A_78 = arith.constant 1.000000e+00 : f32
      %div3A_79 = vector.broadcast %div3A_78 : f32 to vector<16xf32>
      %div3A_80 = arith.divf %div3A_79, %add3A_77 : vector<16xf32>
      %mul3A_81 = arith.mulf %exp3A, %div3A_80 : vector<16xf32>
      %swap3A = arith.constant 0 : i32
      %swap3A_82 = arith.index_cast %swap3A : i32 to index
      %swap3A_83 = arith.index_cast %mul3A_55 : i32 to index
      %swap3A_84 = tpu.vector_load %arg6[%swap3A_82, %swap3A_83] {strides = array<i32>} : memref<8x256xf32, #tpu.memory_space<vmem>>, vector<16xf32>,
      tpu.vector_store %arg6[%swap3A_82, %swap3A_83], %mul3A_81 {strides = array<i32>} : memref<8x256xf32, #tpu.memory_space<vmem>>, vector<16xf32>,
      %swap3A_85 = arith.constant 0 : i32
      %swap3A_86 = arith.index_cast %swap3A_85 : i32 to index
      %swap3A_87 = arith.index_cast %mul3A_55 : i32 to index
      %swap3A_88 = tpu.vector_load %arg7[%swap3A_86, %swap3A_87] {strides = array<i32>} : memref<8x256xi32, #tpu.memory_space<vmem>>, vector<16xi32>,
      tpu.vector_store %arg7[%swap3A_86, %swap3A_87], %scan3A_50#16 {strides = array<i32>} : memref<8x256xi32, #tpu.memory_space<vmem>>, vector<16xi32>,
      %mul3A_89 = arith.mulf %exp3A_58, %div3A_80 : vector<16xf32>
      %swap3A_90 = arith.constant 1 : i32
      %swap3A_91 = arith.index_cast %swap3A_90 : i32 to index
      %swap3A_92 = arith.index_cast %mul3A_55 : i32 to index
      %swap3A_93 = tpu.vector_load %arg6[%swap3A_91, %swap3A_92] {strides = array<i32>} : memref<8x256xf32, #tpu.memory_space<vmem>>, vector<16xf32>,
      tpu.vector_store %arg6[%swap3A_91, %swap3A_92], %mul3A_89 {strides = array<i32>} : memref<8x256xf32, #tpu.memory_space<vmem>>, vector<16xf32>,
      %swap3A_94 = arith.constant 1 : i32
      %swap3A_95 = arith.index_cast %swap3A_94 : i32 to index
      %swap3A_96 = arith.index_cast %mul3A_55 : i32 to index
      %swap3A_97 = tpu.vector_load %arg7[%swap3A_95, %swap3A_96] {strides = array<i32>} : memref<8x256xi32, #tpu.memory_space<vmem>>, vector<16xi32>,
      tpu.vector_store %arg7[%swap3A_95, %swap3A_96], %scan3A_50#17 {strides = array<i32>} : memref<8x256xi32, #tpu.memory_space<vmem>>, vector<16xi32>,
      %mul3A_98 = arith.mulf %exp3A_60, %div3A_80 : vector<16xf32>
      %swap3A_99 = arith.constant 2 : i32
      %swap3A_100 = arith.index_cast %swap3A_99 : i32 to index
      %swap3A_101 = arith.index_cast %mul3A_55 : i32 to index
      %swap3A_102 = tpu.vector_load %arg6[%swap3A_100, %swap3A_101] {strides = array<i32>} : memref<8x256xf32, #tpu.memory_space<vmem>>, vector<16xf32>,
      tpu.vector_store %arg6[%swap3A_100, %swap3A_101], %mul3A_98 {strides = array<i32>} : memref<8x256xf32, #tpu.memory_space<vmem>>, vector<16xf32>,
      %swap3A_103 = arith.constant 2 : i32
      %swap3A_104 = arith.index_cast %swap3A_103 : i32 to index
      %swap3A_105 = arith.index_cast %mul3A_55 : i32 to index
      %swap3A_106 = tpu.vector_load %arg7[%swap3A_104, %swap3A_105] {strides = array<i32>} : memref<8x256xi32, #tpu.memory_space<vmem>>, vector<16xi32>,
      tpu.vector_store %arg7[%swap3A_104, %swap3A_105], %scan3A_50#18 {strides = array<i32>} : memref<8x256xi32, #tpu.memory_space<vmem>>, vector<16xi32>,
      %mul3A_107 = arith.mulf %exp3A_62, %div3A_80 : vector<16xf32>
      %swap3A_108 = arith.constant 3 : i32
      %swap3A_109 = arith.index_cast %swap3A_108 : i32 to index
      %swap3A_110 = arith.index_cast %mul3A_55 : i32 to index
      %swap3A_111 = tpu.vector_load %arg6[%swap3A_109, %swap3A_110] {strides = array<i32>} : memref<8x256xf32, #tpu.memory_space<vmem>>, vector<16xf32>,
      tpu.vector_store %arg6[%swap3A_109, %swap3A_110], %mul3A_107 {strides = array<i32>} : memref<8x256xf32, #tpu.memory_space<vmem>>, vector<16xf32>,
      %swap3A_112 = arith.constant 3 : i32
      %swap3A_113 = arith.index_cast %swap3A_112 : i32 to index
      %swap3A_114 = arith.index_cast %mul3A_55 : i32 to index
      %swap3A_115 = tpu.vector_load %arg7[%swap3A_113, %swap3A_114] {strides = array<i32>} : memref<8x256xi32, #tpu.memory_space<vmem>>, vector<16xi32>,
      tpu.vector_store %arg7[%swap3A_113, %swap3A_114], %scan3A_50#19 {strides = array<i32>} : memref<8x256xi32, #tpu.memory_space<vmem>>, vector<16xi32>,
      %mul3A_116 = arith.mulf %exp3A_64, %div3A_80 : vector<16xf32>
      %swap3A_117 = arith.constant 4 : i32
      %swap3A_118 = arith.index_cast %swap3A_117 : i32 to index
      %swap3A_119 = arith.index_cast %mul3A_55 : i32 to index
      %swap3A_120 = tpu.vector_load %arg6[%swap3A_118, %swap3A_119] {strides = array<i32>} : memref<8x256xf32, #tpu.memory_space<vmem>>, vector<16xf32>,
      tpu.vector_store %arg6[%swap3A_118, %swap3A_119], %mul3A_116 {strides = array<i32>} : memref<8x256xf32, #tpu.memory_space<vmem>>, vector<16xf32>,
      %swap3A_121 = arith.constant 4 : i32
      %swap3A_122 = arith.index_cast %swap3A_121 : i32 to index
      %swap3A_123 = arith.index_cast %mul3A_55 : i32 to index
      %swap3A_124 = tpu.vector_load %arg7[%swap3A_122, %swap3A_123] {strides = array<i32>} : memref<8x256xi32, #tpu.memory_space<vmem>>, vector<16xi32>,
      tpu.vector_store %arg7[%swap3A_122, %swap3A_123], %scan3A_50#20 {strides = array<i32>} : memref<8x256xi32, #tpu.memory_space<vmem>>, vector<16xi32>,
      %mul3A_125 = arith.mulf %exp3A_66, %div3A_80 : vector<16xf32>
      %swap3A_126 = arith.constant 5 : i32
      %swap3A_127 = arith.index_cast %swap3A_126 : i32 to index
      %swap3A_128 = arith.index_cast %mul3A_55 : i32 to index
      %swap3A_129 = tpu.vector_load %arg6[%swap3A_127, %swap3A_128] {strides = array<i32>} : memref<8x256xf32, #tpu.memory_space<vmem>>, vector<16xf32>,
      tpu.vector_store %arg6[%swap3A_127, %swap3A_128], %mul3A_125 {strides = array<i32>} : memref<8x256xf32, #tpu.memory_space<vmem>>, vector<16xf32>,
      %swap3A_130 = arith.constant 5 : i32
      %swap3A_131 = arith.index_cast %swap3A_130 : i32 to index
      %swap3A_132 = arith.index_cast %mul3A_55 : i32 to index
      %swap3A_133 = tpu.vector_load %arg7[%swap3A_131, %swap3A_132] {strides = array<i32>} : memref<8x256xi32, #tpu.memory_space<vmem>>, vector<16xi32>,
      tpu.vector_store %arg7[%swap3A_131, %swap3A_132], %scan3A_50#21 {strides = array<i32>} : memref<8x256xi32, #tpu.memory_space<vmem>>, vector<16xi32>,
      %mul3A_134 = arith.mulf %exp3A_68, %div3A_80 : vector<16xf32>
      %swap3A_135 = arith.constant 6 : i32
      %swap3A_136 = arith.index_cast %swap3A_135 : i32 to index
      %swap3A_137 = arith.index_cast %mul3A_55 : i32 to index
      %swap3A_138 = tpu.vector_load %arg6[%swap3A_136, %swap3A_137] {strides = array<i32>} : memref<8x256xf32, #tpu.memory_space<vmem>>, vector<16xf32>,
      tpu.vector_store %arg6[%swap3A_136, %swap3A_137], %mul3A_134 {strides = array<i32>} : memref<8x256xf32, #tpu.memory_space<vmem>>, vector<16xf32>,
      %swap3A_139 = arith.constant 6 : i32
      %swap3A_140 = arith.index_cast %swap3A_139 : i32 to index
      %swap3A_141 = arith.index_cast %mul3A_55 : i32 to index
      %swap3A_142 = tpu.vector_load %arg7[%swap3A_140, %swap3A_141] {strides = array<i32>} : memref<8x256xi32, #tpu.memory_space<vmem>>, vector<16xi32>,
      tpu.vector_store %arg7[%swap3A_140, %swap3A_141], %scan3A_50#22 {strides = array<i32>} : memref<8x256xi32, #tpu.memory_space<vmem>>, vector<16xi32>,
      %mul3A_143 = arith.mulf %exp3A_70, %div3A_80 : vector<16xf32>
      %swap3A_144 = arith.constant 7 : i32
      %swap3A_145 = arith.index_cast %swap3A_144 : i32 to index
      %swap3A_146 = arith.index_cast %mul3A_55 : i32 to index
      %swap3A_147 = tpu.vector_load %arg6[%swap3A_145, %swap3A_146] {strides = array<i32>} : memref<8x256xf32, #tpu.memory_space<vmem>>, vector<16xf32>,
      tpu.vector_store %arg6[%swap3A_145, %swap3A_146], %mul3A_143 {strides = array<i32>} : memref<8x256xf32, #tpu.memory_space<vmem>>, vector<16xf32>,
      %swap3A_148 = arith.constant 7 : i32
      %swap3A_149 = arith.index_cast %swap3A_148 : i32 to index
      %swap3A_150 = arith.index_cast %mul3A_55 : i32 to index
      %swap3A_151 = tpu.vector_load %arg7[%swap3A_149, %swap3A_150] {strides = array<i32>} : memref<8x256xi32, #tpu.memory_space<vmem>>, vector<16xi32>,
      tpu.vector_store %arg7[%swap3A_149, %swap3A_150], %scan3A_50#23 {strides = array<i32>} : memref<8x256xi32, #tpu.memory_space<vmem>>, vector<16xi32>,
      %add3A_152 = arith.constant 1 : i32
      %add3A_153 = arith.addi %mul3A_45, %add3A_152 : i32
      %mul3A_154 = arith.constant 16 : i32
      %mul3A_155 = arith.muli %add3A_153, %mul3A_154 : i32
      %sub3A_156 = arith.subf %scan3A_50#8, %scan3A_50#8 : vector<16xf32>
      %exp3A_157 = math.exp %sub3A_156 : vector<16xf32>
      %sub3A_158 = arith.subf %scan3A_50#9, %scan3A_50#8 : vector<16xf32>
      %exp3A_159 = math.exp %sub3A_158 : vector<16xf32>
      %sub3A_160 = arith.subf %scan3A_50#10, %scan3A_50#8 : vector<16xf32>
      %exp3A_161 = math.exp %sub3A_160 : vector<16xf32>
      %sub3A_162 = arith.subf %scan3A_50#11, %scan3A_50#8 : vector<16xf32>
      %exp3A_163 = math.exp %sub3A_162 : vector<16xf32>
      %sub3A_164 = arith.subf %scan3A_50#12, %scan3A_50#8 : vector<16xf32>
      %exp3A_165 = math.exp %sub3A_164 : vector<16xf32>
      %sub3A_166 = arith.subf %scan3A_50#13, %scan3A_50#8 : vector<16xf32>
      %exp3A_167 = math.exp %sub3A_166 : vector<16xf32>
      %sub3A_168 = arith.subf %scan3A_50#14, %scan3A_50#8 : vector<16xf32>
      %exp3A_169 = math.exp %sub3A_168 : vector<16xf32>
      %sub3A_170 = arith.subf %scan3A_50#15, %scan3A_50#8 : vector<16xf32>
      %exp3A_171 = math.exp %sub3A_170 : vector<16xf32>
      %add3A_172 = arith.addf %exp3A_157, %exp3A_159 : vector<16xf32>
      %add3A_173 = arith.addf %add3A_172, %exp3A_161 : vector<16xf32>
      %add3A_174 = arith.addf %add3A_173, %exp3A_163 : vector<16xf32>
      %add3A_175 = arith.addf %add3A_174, %exp3A_165 : vector<16xf32>
      %add3A_176 = arith.addf %add3A_175, %exp3A_167 : vector<16xf32>
      %add3A_177 = arith.addf %add3A_176, %exp3A_169 : vector<16xf32>
      %add3A_178 = arith.addf %add3A_177, %exp3A_171 : vector<16xf32>
      %div3A_179 = arith.constant 1.000000e+00 : f32
      %div3A_180 = vector.broadcast %div3A_179 : f32 to vector<16xf32>
      %div3A_181 = arith.divf %div3A_180, %add3A_178 : vector<16xf32>
      %mul3A_182 = arith.mulf %exp3A_157, %div3A_181 : vector<16xf32>
      %swap3A_183 = arith.constant 0 : i32
      %swap3A_184 = arith.index_cast %swap3A_183 : i32 to index
      %swap3A_185 = arith.index_cast %mul3A_155 : i32 to index
      %swap3A_186 = tpu.vector_load %arg6[%swap3A_184, %swap3A_185] {strides = array<i32>} : memref<8x256xf32, #tpu.memory_space<vmem>>, vector<16xf32>,
      tpu.vector_store %arg6[%swap3A_184, %swap3A_185], %mul3A_182 {strides = array<i32>} : memref<8x256xf32, #tpu.memory_space<vmem>>, vector<16xf32>,
      %swap3A_187 = arith.constant 0 : i32
      %swap3A_188 = arith.index_cast %swap3A_187 : i32 to index
      %swap3A_189 = arith.index_cast %mul3A_155 : i32 to index
      %swap3A_190 = tpu.vector_load %arg7[%swap3A_188, %swap3A_189] {strides = array<i32>} : memref<8x256xi32, #tpu.memory_space<vmem>>, vector<16xi32>,
      tpu.vector_store %arg7[%swap3A_188, %swap3A_189], %scan3A_50#24 {strides = array<i32>} : memref<8x256xi32, #tpu.memory_space<vmem>>, vector<16xi32>,
      %mul3A_191 = arith.mulf %exp3A_159, %div3A_181 : vector<16xf32>
      %swap3A_192 = arith.constant 1 : i32
      %swap3A_193 = arith.index_cast %swap3A_192 : i32 to index
      %swap3A_194 = arith.index_cast %mul3A_155 : i32 to index
      %swap3A_195 = tpu.vector_load %arg6[%swap3A_193, %swap3A_194] {strides = array<i32>} : memref<8x256xf32, #tpu.memory_space<vmem>>, vector<16xf32>,
      tpu.vector_store %arg6[%swap3A_193, %swap3A_194], %mul3A_191 {strides = array<i32>} : memref<8x256xf32, #tpu.memory_space<vmem>>, vector<16xf32>,
      %swap3A_196 = arith.constant 1 : i32
      %swap3A_197 = arith.index_cast %swap3A_196 : i32 to index
      %swap3A_198 = arith.index_cast %mul3A_155 : i32 to index
      %swap3A_199 = tpu.vector_load %arg7[%swap3A_197, %swap3A_198] {strides = array<i32>} : memref<8x256xi32, #tpu.memory_space<vmem>>, vector<16xi32>,
      tpu.vector_store %arg7[%swap3A_197, %swap3A_198], %scan3A_50#25 {strides = array<i32>} : memref<8x256xi32, #tpu.memory_space<vmem>>, vector<16xi32>,
      %mul3A_200 = arith.mulf %exp3A_161, %div3A_181 : vector<16xf32>
      %swap3A_201 = arith.constant 2 : i32
      %swap3A_202 = arith.index_cast %swap3A_201 : i32 to index
      %swap3A_203 = arith.index_cast %mul3A_155 : i32 to index
      %swap3A_204 = tpu.vector_load %arg6[%swap3A_202, %swap3A_203] {strides = array<i32>} : memref<8x256xf32, #tpu.memory_space<vmem>>, vector<16xf32>,
      tpu.vector_store %arg6[%swap3A_202, %swap3A_203], %mul3A_200 {strides = array<i32>} : memref<8x256xf32, #tpu.memory_space<vmem>>, vector<16xf32>,
      %swap3A_205 = arith.constant 2 : i32
      %swap3A_206 = arith.index_cast %swap3A_205 : i32 to index
      %swap3A_207 = arith.index_cast %mul3A_155 : i32 to index
      %swap3A_208 = tpu.vector_load %arg7[%swap3A_206, %swap3A_207] {strides = array<i32>} : memref<8x256xi32, #tpu.memory_space<vmem>>, vector<16xi32>,
      tpu.vector_store %arg7[%swap3A_206, %swap3A_207], %scan3A_50#26 {strides = array<i32>} : memref<8x256xi32, #tpu.memory_space<vmem>>, vector<16xi32>,
      %mul3A_209 = arith.mulf %exp3A_163, %div3A_181 : vector<16xf32>
      %swap3A_210 = arith.constant 3 : i32
      %swap3A_211 = arith.index_cast %swap3A_210 : i32 to index
      %swap3A_212 = arith.index_cast %mul3A_155 : i32 to index
      %swap3A_213 = tpu.vector_load %arg6[%swap3A_211, %swap3A_212] {strides = array<i32>} : memref<8x256xf32, #tpu.memory_space<vmem>>, vector<16xf32>,
      tpu.vector_store %arg6[%swap3A_211, %swap3A_212], %mul3A_209 {strides = array<i32>} : memref<8x256xf32, #tpu.memory_space<vmem>>, vector<16xf32>,
      %swap3A_214 = arith.constant 3 : i32
      %swap3A_215 = arith.index_cast %swap3A_214 : i32 to index
      %swap3A_216 = arith.index_cast %mul3A_155 : i32 to index
      %swap3A_217 = tpu.vector_load %arg7[%swap3A_215, %swap3A_216] {strides = array<i32>} : memref<8x256xi32, #tpu.memory_space<vmem>>, vector<16xi32>,
      tpu.vector_store %arg7[%swap3A_215, %swap3A_216], %scan3A_50#27 {strides = array<i32>} : memref<8x256xi32, #tpu.memory_space<vmem>>, vector<16xi32>,
      %mul3A_218 = arith.mulf %exp3A_165, %div3A_181 : vector<16xf32>
      %swap3A_219 = arith.constant 4 : i32
      %swap3A_220 = arith.index_cast %swap3A_219 : i32 to index
      %swap3A_221 = arith.index_cast %mul3A_155 : i32 to index
      %swap3A_222 = tpu.vector_load %arg6[%swap3A_220, %swap3A_221] {strides = array<i32>} : memref<8x256xf32, #tpu.memory_space<vmem>>, vector<16xf32>,
      tpu.vector_store %arg6[%swap3A_220, %swap3A_221], %mul3A_218 {strides = array<i32>} : memref<8x256xf32, #tpu.memory_space<vmem>>, vector<16xf32>,
      %swap3A_223 = arith.constant 4 : i32
      %swap3A_224 = arith.index_cast %swap3A_223 : i32 to index
      %swap3A_225 = arith.index_cast %mul3A_155 : i32 to index
      %swap3A_226 = tpu.vector_load %arg7[%swap3A_224, %swap3A_225] {strides = array<i32>} : memref<8x256xi32, #tpu.memory_space<vmem>>, vector<16xi32>,
      tpu.vector_store %arg7[%swap3A_224, %swap3A_225], %scan3A_50#28 {strides = array<i32>} : memref<8x256xi32, #tpu.memory_space<vmem>>, vector<16xi32>,
      %mul3A_227 = arith.mulf %exp3A_167, %div3A_181 : vector<16xf32>
      %swap3A_228 = arith.constant 5 : i32
      %swap3A_229 = arith.index_cast %swap3A_228 : i32 to index
      %swap3A_230 = arith.index_cast %mul3A_155 : i32 to index
      %swap3A_231 = tpu.vector_load %arg6[%swap3A_229, %swap3A_230] {strides = array<i32>} : memref<8x256xf32, #tpu.memory_space<vmem>>, vector<16xf32>,
      tpu.vector_store %arg6[%swap3A_229, %swap3A_230], %mul3A_227 {strides = array<i32>} : memref<8x256xf32, #tpu.memory_space<vmem>>, vector<16xf32>,
      %swap3A_232 = arith.constant 5 : i32
      %swap3A_233 = arith.index_cast %swap3A_232 : i32 to index
      %swap3A_234 = arith.index_cast %mul3A_155 : i32 to index
      %swap3A_235 = tpu.vector_load %arg7[%swap3A_233, %swap3A_234] {strides = array<i32>} : memref<8x256xi32, #tpu.memory_space<vmem>>, vector<16xi32>,
      tpu.vector_store %arg7[%swap3A_233, %swap3A_234], %scan3A_50#29 {strides = array<i32>} : memref<8x256xi32, #tpu.memory_space<vmem>>, vector<16xi32>,
      %mul3A_236 = arith.mulf %exp3A_169, %div3A_181 : vector<16xf32>
      %swap3A_237 = arith.constant 6 : i32
      %swap3A_238 = arith.index_cast %swap3A_237 : i32 to index
      %swap3A_239 = arith.index_cast %mul3A_155 : i32 to index
      %swap3A_240 = tpu.vector_load %arg6[%swap3A_238, %swap3A_239] {strides = array<i32>} : memref<8x256xf32, #tpu.memory_space<vmem>>, vector<16xf32>,
      tpu.vector_store %arg6[%swap3A_238, %swap3A_239], %mul3A_236 {strides = array<i32>} : memref<8x256xf32, #tpu.memory_space<vmem>>, vector<16xf32>,
      %swap3A_241 = arith.constant 6 : i32
      %swap3A_242 = arith.index_cast %swap3A_241 : i32 to index
      %swap3A_243 = arith.index_cast %mul3A_155 : i32 to index
      %swap3A_244 = tpu.vector_load %arg7[%swap3A_242, %swap3A_243] {strides = array<i32>} : memref<8x256xi32, #tpu.memory_space<vmem>>, vector<16xi32>,
      tpu.vector_store %arg7[%swap3A_242, %swap3A_243], %scan3A_50#30 {strides = array<i32>} : memref<8x256xi32, #tpu.memory_space<vmem>>, vector<16xi32>,
      %mul3A_245 = arith.mulf %exp3A_171, %div3A_181 : vector<16xf32>
      %swap3A_246 = arith.constant 7 : i32
      %swap3A_247 = arith.index_cast %swap3A_246 : i32 to index
      %swap3A_248 = arith.index_cast %mul3A_155 : i32 to index
      %swap3A_249 = tpu.vector_load %arg6[%swap3A_247, %swap3A_248] {strides = array<i32>} : memref<8x256xf32, #tpu.memory_space<vmem>>, vector<16xf32>,
      tpu.vector_store %arg6[%swap3A_247, %swap3A_248], %mul3A_245 {strides = array<i32>} : memref<8x256xf32, #tpu.memory_space<vmem>>, vector<16xf32>,
      %swap3A_250 = arith.constant 7 : i32
      %swap3A_251 = arith.index_cast %swap3A_250 : i32 to index
      %swap3A_252 = arith.index_cast %mul3A_155 : i32 to index
      %swap3A_253 = tpu.vector_load %arg7[%swap3A_251, %swap3A_252] {strides = array<i32>} : memref<8x256xi32, #tpu.memory_space<vmem>>, vector<16xi32>,
      tpu.vector_store %arg7[%swap3A_251, %swap3A_252], %scan3A_50#31 {strides = array<i32>} : memref<8x256xi32, #tpu.memory_space<vmem>>, vector<16xi32>,
      %scan3A_254 = arith.constant 0 : i32
      scf.yield %scan3A_254 : i32
    }
    %scan3A_41 = arith.constant 8 : i32
    "tpu.region"() ({
      %run_scoped3A = tpu.sem_alloc : memref<!tpu.dma_semaphore, #tpu.memory_space<semaphore_mem>>
      %dma_start3A = arith.constant 0 : i32
      %dma_start3A_42 = tpu.memref_slice %arg3[%select_n3A, %dma_start3A, %mul3A_32] : memref<2x8x4096xf32, #tpu.memory_space<hbm>> -> memref<1x8x256xf32, #tpu.memory_space<hbm>>
      %dma_start3A_43 = tpu.memref_squeeze %dma_start3A_42 : memref<1x8x256xf32, #tpu.memory_space<hbm>> -> memref<8x256xf32, #tpu.memory_space<hbm>>
      %dma_start3A_44 = arith.constant 0 : i32
      %dma_start3A_45 = tpu.memref_slice %arg3[%select_n3A, %dma_start3A_44, %mul3A_32] : memref<2x8x4096xf32, #tpu.memory_space<hbm>> -> memref<1x8x256xf32, #tpu.memory_space<hbm>>
      %dma_start3A_46 = tpu.memref_squeeze %dma_start3A_45 : memref<1x8x256xf32, #tpu.memory_space<hbm>> -> memref<8x256xf32, #tpu.memory_space<hbm>>
      tpu.enqueue_dma source(%arg6 : memref<8x256xf32, #tpu.memory_space<vmem>>) target(%dma_start3A_46 : memref<8x256xf32, #tpu.memory_space<hbm>>) target_semaphore(%run_scoped3A : memref<!tpu.dma_semaphore, #tpu.memory_space<semaphore_mem>>)
      %dma_wait3A = arith.constant 0 : i32
      %dma_wait3A_47 = tpu.memref_slice %arg3[%select_n3A, %dma_wait3A, %mul3A_32] : memref<2x8x4096xf32, #tpu.memory_space<hbm>> -> memref<1x8x256xf32, #tpu.memory_space<hbm>>
      %dma_wait3A_48 = tpu.memref_squeeze %dma_wait3A_47 : memref<1x8x256xf32, #tpu.memory_space<hbm>> -> memref<8x256xf32, #tpu.memory_space<hbm>>
      %dma_wait3A_49 = arith.constant 0 : i32
      %dma_wait3A_50 = tpu.memref_slice %arg3[%select_n3A, %dma_wait3A_49, %mul3A_32] : memref<2x8x4096xf32, #tpu.memory_space<hbm>> -> memref<1x8x256xf32, #tpu.memory_space<hbm>>
      %dma_wait3A_51 = tpu.memref_squeeze %dma_wait3A_50 : memref<1x8x256xf32, #tpu.memory_space<hbm>> -> memref<8x256xf32, #tpu.memory_space<hbm>>
      tpu.wait_dma2 semaphore(%run_scoped3A : memref<!tpu.dma_semaphore, #tpu.memory_space<semaphore_mem>>) src(%arg6 : memref<8x256xf32, #tpu.memory_space<vmem>>) dst(%dma_wait3A_51 : memref<8x256xf32, #tpu.memory_space<hbm>>)
      tpu.yield
    }) : () -> ()
    "tpu.region"() ({
      %run_scoped3A = tpu.sem_alloc : memref<!tpu.dma_semaphore, #tpu.memory_space<semaphore_mem>>
      %dma_start3A = arith.constant 0 : i32
      %dma_start3A_42 = tpu.memref_slice %arg4[%select_n3A, %dma_start3A, %mul3A_32] : memref<2x8x4096xi32, #tpu.memory_space<hbm>> -> memref<1x8x256xi32, #tpu.memory_space<hbm>>
      %dma_start3A_43 = tpu.memref_squeeze %dma_start3A_42 : memref<1x8x256xi32, #tpu.memory_space<hbm>> -> memref<8x256xi32, #tpu.memory_space<hbm>>
      %dma_start3A_44 = arith.constant 0 : i32
      %dma_start3A_45 = tpu.memref_slice %arg4[%select_n3A, %dma_start3A_44, %mul3A_32] : memref<2x8x4096xi32, #tpu.memory_space<hbm>> -> memref<1x8x256xi32, #tpu.memory_space<hbm>>
      %dma_start3A_46 = tpu.memref_squeeze %dma_start3A_45 : memref<1x8x256xi32, #tpu.memory_space<hbm>> -> memref<8x256xi32, #tpu.memory_space<hbm>>
      tpu.enqueue_dma source(%arg7 : memref<8x256xi32, #tpu.memory_space<vmem>>) target(%dma_start3A_46 : memref<8x256xi32, #tpu.memory_space<hbm>>) target_semaphore(%run_scoped3A : memref<!tpu.dma_semaphore, #tpu.memory_space<semaphore_mem>>)
      %dma_wait3A = arith.constant 0 : i32
      %dma_wait3A_47 = tpu.memref_slice %arg4[%select_n3A, %dma_wait3A, %mul3A_32] : memref<2x8x4096xi32, #tpu.memory_space<hbm>> -> memref<1x8x256xi32, #tpu.memory_space<hbm>>
      %dma_wait3A_48 = tpu.memref_squeeze %dma_wait3A_47 : memref<1x8x256xi32, #tpu.memory_space<hbm>> -> memref<8x256xi32, #tpu.memory_space<hbm>>
      %dma_wait3A_49 = arith.constant 0 : i32
      %dma_wait3A_50 = tpu.memref_slice %arg4[%select_n3A, %dma_wait3A_49, %mul3A_32] : memref<2x8x4096xi32, #tpu.memory_space<hbm>> -> memref<1x8x256xi32, #tpu.memory_space<hbm>>
      %dma_wait3A_51 = tpu.memref_squeeze %dma_wait3A_50 : memref<1x8x256xi32, #tpu.memory_space<hbm>> -> memref<8x256xi32, #tpu.memory_space<hbm>>
      tpu.wait_dma2 semaphore(%run_scoped3A : memref<!tpu.dma_semaphore, #tpu.memory_space<semaphore_mem>>) src(%arg7 : memref<8x256xi32, #tpu.memory_space<vmem>>) dst(%dma_wait3A_51 : memref<8x256xi32, #tpu.memory_space<hbm>>)
      tpu.yield
    }) : () -> ()
    return
  }
}

module attributes {stable_mosaic.version = 14 : i64} {
  func.func @_logits_body(%arg0: i32, %arg1: memref<64x2048xf32, #tpu.memory_space<vmem>>, %arg2: memref<1024x2048xf32, #tpu.memory_space<vmem>>, %arg3: memref<1x64x1024xf32, #tpu.memory_space<vmem>>) attributes {dimension_semantics = [#tpu.dimension_semantics<arbitrary>], iteration_bounds = array<i64: 8>, scalar_prefetch = 0 : i64, scratch_operands = 0 : i64, tpu.core_type = #tpu.core_type<tc>, window_params = [{pipeline_mode = #tpu.pipeline_mode<synchronous>, transform_indices = @transform_0, window_bounds = array<i64: 64, 2048>}, {transform_indices = @transform_1, window_bounds = array<i64: 1024, 2048>}, {transform_indices = @transform_2, window_bounds = array<i64: 1, 64, 1024>}]} {
    %get3A = arith.constant 0 : index
    %get3A_0 = arith.constant 0 : index
    %get3A_1 = vector.load %arg1[%get3A, %get3A_0] : memref<64x2048xf32, #tpu.memory_space<vmem>>, vector<64x2048xf32>
    %get3A_2 = arith.constant 0 : index
    %get3A_3 = arith.constant 0 : index
    %get3A_4 = vector.load %arg2[%get3A_2, %get3A_3] : memref<1024x2048xf32, #tpu.memory_space<vmem>>, vector<1024x2048xf32>
    %dot_general3A = arith.constant dense<0.000000e+00> : vector<64x1024xf32>
    %dot_general3A_5 = tpu.matmul %get3A_1, %get3A_4, %dot_general3A {dimension_numbers = #tpu.dot_dimension_numbers<[1], [1], [0], [0], [0, 0, 1, 0], [], []>, transpose_lhs_hint = false} : vector<64x2048xf32>, vector<1024x2048xf32>, vector<64x1024xf32> -> vector<64x1024xf32>
    %swap3A = arith.constant 0 : index
    %swap3A_6 = arith.constant 0 : index
    %swap3A_7 = arith.constant 0 : index
    %swap3A_8 = vector.load %arg3[%swap3A, %swap3A_6, %swap3A_7] : memref<1x64x1024xf32, #tpu.memory_space<vmem>>, vector<1x64x1024xf32>
    %swap3A_9 = vector.shape_cast %swap3A_8 : vector<1x64x1024xf32> to vector<64x1024xf32>
    %swap3A_10 = vector.shape_cast %dot_general3A_5 : vector<64x1024xf32> to vector<1x64x1024xf32>
    tpu.vector_store %arg3[%swap3A, %swap3A_6, %swap3A_7], %swap3A_10 {strides = array<i32>} : memref<1x64x1024xf32, #tpu.memory_space<vmem>>, vector<1x64x1024xf32>,
    return
  }
  func.func @transform_0(%arg0: i32) -> (i32, i32) {
    %c0_i32 = arith.constant 0 : i32
    %c0_i32_0 = arith.constant 0 : i32
    %c0_i32_1 = arith.constant 0 : i32
    return %c0_i32, %c0_i32_0 : i32, i32
  }
  func.func @transform_1(%arg0: i32) -> (i32, i32) {
    %c0_i32 = arith.constant 0 : i32
    %c0_i32_0 = arith.constant 0 : i32
    return %arg0, %c0_i32 : i32, i32
  }
  func.func @transform_2(%arg0: i32) -> (i32, i32, i32) {
    %jit3A = arith.constant 4 : i32
    %div3A = arith.divsi %arg0, %jit3A : i32
    %sign3A = arith.constant 0 : i32
    %sign3A_0 = arith.cmpi sgt, %arg0, %sign3A : i32
    %sign3A_1 = arith.extui %sign3A_0 : i1 to i32
    %sign3A_2 = arith.constant 0 : i32
    %sign3A_3 = arith.cmpi slt, %arg0, %sign3A_2 : i32
    %sign3A_4 = arith.extui %sign3A_3 : i1 to i32
    %sign3A_5 = arith.subi %sign3A_1, %sign3A_4 : i32
    %sign3A_6 = arith.constant 0 : i32
    %sign3A_7 = arith.cmpi sgt, %jit3A, %sign3A_6 : i32
    %sign3A_8 = arith.extui %sign3A_7 : i1 to i32
    %sign3A_9 = arith.constant 0 : i32
    %sign3A_10 = arith.cmpi slt, %jit3A, %sign3A_9 : i32
    %sign3A_11 = arith.extui %sign3A_10 : i1 to i32
    %sign3A_12 = arith.subi %sign3A_8, %sign3A_11 : i32
    %ne3A = arith.cmpi ne, %sign3A_5, %sign3A_12 : i32
    %rem3A = arith.remsi %arg0, %jit3A : i32
    %ne3A_13 = arith.constant 0 : i32
    %ne3A_14 = arith.cmpi ne, %rem3A, %ne3A_13 : i32
    %and3A = arith.andi %ne3A, %ne3A_14 : i1
    %sub3A = arith.constant 1 : i32
    %sub3A_15 = arith.subi %div3A, %sub3A : i32
    %select_n3A = arith.select %and3A, %sub3A_15, %div3A : i32
    %jit3A_16 = arith.constant 4 : i32
    %eq3A = arith.constant 0 : i32
    %eq3A_17 = arith.cmpi eq, %jit3A_16, %eq3A : i32
    %jit3A_18 = arith.constant 1 : i32
    %select_n3A_19 = arith.select %eq3A_17, %jit3A_18, %jit3A_16 : i32
    %rem3A_20 = arith.remsi %arg0, %select_n3A_19 : i32
    %ne3A_21 = arith.constant 0 : i32
    %ne3A_22 = arith.cmpi ne, %rem3A_20, %ne3A_21 : i32
    %lt3A = arith.constant 0 : i32
    %lt3A_23 = arith.cmpi slt, %rem3A_20, %lt3A : i32
    %lt3A_24 = arith.constant 0 : i32
    %lt3A_25 = arith.cmpi slt, %select_n3A_19, %lt3A_24 : i32
    %ne3A_26 = arith.xori %lt3A_23, %lt3A_25 : i1
    %and3A_27 = arith.andi %ne3A_26, %ne3A_22 : i1
    %add3A = arith.addi %rem3A_20, %select_n3A_19 : i32
    %select_n3A_28 = arith.select %and3A_27, %add3A, %rem3A_20 : i32
    %c0_i32 = arith.constant 0 : i32
    %c0_i32_29 = arith.constant 0 : i32
    return %select_n3A, %c0_i32, %select_n3A_28 : i32, i32, i32
  }
}

</mosaic_0001>

<sc_bundles>
// kernel: kernel.4.cloned.1.call-start
scs
__scs_entry_jumppad:
0x0: {  	(pc) =	sbr.rel $0x88, $3  }
0x1: {  	(tag) =	ssettag $0x0;
	lr =	simm.s32 $0x1  }
0x2: {  	[smem:$0x3F9F] =	sst lr;
	_ =	strace $0xD0000000  }
0x3: {  	_ = 	snop  }
0x4: {  	_ = 	snop  }
0x5: {  	_ = 	snop  }
0x6: {  	_ = 	snop  }
0x7: {  	_ = 	snop  }
__scs_overlays_trampoline_lowered:
0x8: {  	[smem:$0x3FAE] =	sst s0  }
0x9: {  	[smem:$0x3FAF] =	sst s1  }
0xa: {  	[smem:$0x3FB0] =	sst s2  }
0xb: {  	[smem:$0x3FB1] =	sst s3  }
0xc: {  	[smem:$0x3FB2] =	sst s4  }
0xd: {  	[smem:$0x3FB3] =	sst s5  }
0xe: {  	[smem:$0x3FB4] =	sst s6  }
0xf: {  	[smem:$0x3FB5] =	sst s7  }
0x10: {  	[smem:$0x3FB6] =	sst s8  }
0x11: {  	[smem:$0x3FB7] =	sst s9;
	s0 =	simm.s32 @!p0 $0x0  }
0x12: {  	s1 =	sld [smem:$0x3F9D];
	s0 =	simm.s32 @p0 $0x1  }
0x13: {  	[smem:$0x3FB8] =	sst s0;
	s0 =	simm.s32 @!p1 $0x0  }
0x14: {  	s2 =	sld [smem:$0x3F9C];
	s0 =	simm.s32 @p1 $0x1  }
0x15: {  	[smem:$0x3FB9] =	sst s0;
	s0 =	simm.s32 @!p2 $0x0  }
0x16: {  	s3 =	sld [smem:$0x3FDB];
	s0 =	simm.s32 @p2 $0x1  }
0x17: {  	s4 =	simm.s32 $0x1BF5;
	[smem:$0x3FBB] =	sst s0  }
0x18: {  	s0 =	sld [smem:$0x3F9E];
	_ =	swait.ge [sflag:s4], $0x0  }
0x19: {  	s7 =	sld [smem:$0x3F9F]  }
0x1a: {  	s8 =	sadd.s32 $0xFFFFE003, lr  }
0x1b: {  	s9 =	sadd.s32 $0xFFFFFEF7, lr;
	s5 =	simm.s32 $0xFFFFFFFF;
	p2 =	slt.u32 s8, $0xFFFFF086  }
0x1c: {  	p1 =	slt.u32 s9, $0xF7A;
	s5 =	simm.s32 @!p2 $0x0  }
0x1d: {  	s5 =	simm.s32 @p1 $0x1;
	p0 =	seq.s32 s7, s2  }
0x1e: {  	s7 =	smul.u32 @!p0 $0xF7A, s2;
	p2 =	seq.s32 @!p0 s5, $0x0  }
0x1f: {  	s9 =	smul.u32 $0xF7A, s1;
	s8 =	simm.s32 @!p0 $0x1BF5;
	p2 =	por !p2, p0  }
0x20: {  	[sflag:s8] =	ssyncset.s32 @!p0 $0xFFFFF086;
	s6 =	sadd.s32 @!p0 s3, s7;
	s7 =	simm.s32 @!p0 $0x108  }
0x21: {  	s3 =	sadd.s32 s3, s9;
	s6 =	sadd.s32 @!p0 $0x88, s6;
	s7 =	simm.s32 @p2 $0x1082  }
0x22: {  	[simem:s7], [sflag:s8] =	dma.local @!p0 [hbm:s6], $0xF7A  }
0x23: {  	s9 =	sor.u32 $0xD0000000, s2;
	s6 =	simm.s32 $0x108;
	_ =	swait.ge @!p0 [sflag:s8], $0x0  }
0x24: {  	s3 =	sadd.s32 $0x88, s3;
	s6 =	simm.s32 @!p1 $0x1082;
	[sflag:s4] =	ssyncset.s32 $0xFFFFF086  }
0x25: {  	[simem:s6], [sflag:s4] =	dma.local [hbm:s3], $0xF7A  }
0x26: {  	[smem:$0x3F9F] =	sst s1;
	(tag) =	ssettag s2;
	_ =	strace s9  }
0x27: {  	s1 =	sld [smem:$0x3FAF]  }
0x28: {  	s2 =	sld [smem:$0x3FB0]  }
0x29: {  	s4 =	sld [smem:$0x3FB2]  }
0x2a: {  	p0 =	seq.s32 s5, $0x0;
	s5 =	sld [smem:$0x3FB3]  }
0x2b: {  	s6 =	sld [smem:$0x3FB4]  }
0x2c: {  	s7 =	sld [smem:$0x3FB5]  }
0x2d: {  	s3 =	simm.s32 $0x108;
	s8 =	sld [smem:$0x3FB6]  }
0x2e: {  	s3 =	simm.s32 @!p0 $0x1082;
	s9 =	sld [smem:$0x3FB7]  }
0x2f: {  	lr =	sadd.s32 s0, s3;
	s0 =	sld [smem:$0x3FAE]  }
0x30: {  	s3 =	sld [smem:$0x3FB1]  }
0x31: {  	[smem:$0x3FBA] =	sst s10  }
0x32: {  	s10 =	sld [smem:$0x3FB8];
	_ =	sdelay $0x3  }
0x33: {  	p0 =	seq.s32 s10, $0x1;
	s10 =	sld [smem:$0x3FBA];
	_ =	sdelay $0x3  }
0x34: {  	[smem:$0x3FBA] =	sst s10  }
0x35: {  	s10 =	sld [smem:$0x3FB9];
	_ =	sdelay $0x3  }
0x36: {  	p1 =	seq.s32 s10, $0x1;
	s10 =	sld [smem:$0x3FBA];
	_ =	sdelay $0x3  }
0x37: {  	[smem:$0x3FBA] =	sst s10  }
0x38: {  	s10 =	sld [smem:$0x3FBB]  }
0x39: {  	_ = 	snop;
	(pc) =	sbr.ind lr, $3  }
0x3a: {  	_ = 	snop  }
0x3b: {  	_ = 	snop  }
0x3c: {  	p2 =	seq.s32 s10, $0x1;
	s10 =	sld [smem:$0x3FBA]  }
0x3d: {  	_ =	shalt  }
0x3e: {  	_ =	shalt  }
0x3f: {  	_ =	shalt  }
0x40: {  	_ =	shalt  }
0x41: {  	_ =	shalt  }
0x42: {  	_ =	shalt  }
0x43: {  	_ =	shalt  }
0x44: {  	_ =	shalt  }
0x45: {  	_ =	shalt  }
0x46: {  	_ =	shalt  }
0x47: {  	_ =	shalt  }
0x48: {  	_ =	shalt  }
0x49: {  	_ =	shalt  }
0x4a: {  	_ =	shalt  }
0x4b: {  	_ =	shalt  }
0x4c: {  	_ =	shalt  }
0x4d: {  	_ =	shalt  }
0x4e: {  	_ =	shalt  }
0x4f: {  	_ =	shalt  }
0x50: {  	_ =	shalt  }
0x51: {  	_ =	shalt  }
0x52: {  	_ =	shalt  }
0x53: {  	_ =	shalt  }
0x54: {  	_ =	shalt  }
0x55: {  	_ =	shalt  }
0x56: {  	_ =	shalt  }
0x57: {  	_ =	shalt  }
0x58: {  	_ =	shalt  }
0x59: {  	_ =	shalt  }
0x5a: {  	_ =	shalt  }
0x5b: {  	_ =	shalt  }
0x5c: {  	_ =	shalt  }
0x5d: {  	_ =	shalt  }
0x5e: {  	_ =	shalt  }
0x5f: {  	_ =	shalt  }
0x60: {  	_ =	shalt  }
0x61: {  	_ =	shalt  }
0x62: {  	_ =	shalt  }
0x63: {  	_ =	shalt  }
0x64: {  	_ =	shalt  }
0x65: {  	_ =	shalt  }
0x66: {  	_ =	shalt  }
0x67: {  	_ =	shalt  }
0x68: {  	_ =	shalt  }
0x69: {  	_ =	shalt  }
0x6a: {  	_ =	shalt  }
0x6b: {  	_ =	shalt  }
0x6c: {  	_ =	shalt  }
0x6d: {  	_ =	shalt  }
0x6e: {  	_ =	shalt  }
0x6f: {  	_ =	shalt  }
0x70: {  	_ =	shalt  }
0x71: {  	_ =	shalt  }
0x72: {  	_ =	shalt  }
0x73: {  	_ =	shalt  }
0x74: {  	_ =	shalt  }
0x75: {  	_ =	shalt  }
0x76: {  	_ =	shalt  }
0x77: {  	_ =	shalt  }
0x78: {  	_ =	shalt  }
0x79: {  	_ =	shalt  }
0x7a: {  	_ =	shalt  }
0x7b: {  	_ =	shalt  }
0x7c: {  	_ =	shalt  }
0x7d: {  	_ =	shalt  }
0x7e: {  	_ =	shalt  }
0x7f: {  	_ =	shalt  }
0x80: {  	_ =	shalt  }
0x81: {  	_ =	shalt  }
0x82: {  	_ =	shalt  }
0x83: {  	_ =	shalt  }
0x84: {  	_ =	shalt  }
0x85: {  	_ =	shalt  }
0x86: {  	_ =	shalt  }
0x87: {  	_ =	shalt  }
.Lfunc_end0:
.L_simem_size_0:
called_computation_lowered:
.L_overlay_start_0:
0x88: {  	s2 =	sld [smem:$0x3FD9]  }
0x89: {  	s3 =	sld [smem:$0x3FFE];
	_ =	sdelay $0x1  }
0x8a: {  	s1 =	srdreg.scid  }
0x8b: {  	s0 =	sand.u32 $0x1, s1  }
0x8c: {  	s15 =	sshll.u32 s0, $0xA;
	s2 =	sadd.s32 s3, s2  }
0x8d: {  	s2 =	sadd.s32 s2, s15  }
0x8e: {  	[smem:$0x3FC6] =	sst s2  }
0x8f: {  	_ = 	snop  }
0x90: {  	s2 =	sld [smem:$0x3FD0];
	_ =	sdelay $0x2  }
0x91: {  	s16 =	simm.s32 $0xA;
	s4 =	simm.s32 $0x10  }
0x92: {  	[smem:s4], [sflag:s16] =	dma.local [hbm:s2], $0x1  }
0x93: {  	_ =	swait.eq [sflag:s16], $0x1  }
0x94: {  	s17 =	sld [smem:$0x10];
	[sflag:s16] =	ssyncset.done $0x0  }
0x95: {  	s18 =	sld [smem:$0x11];
	[sflag:s16] =	ssyncadd.s32 $0xFFFFFFFF  }
0x96: {  	s19 =	sld [smem:$0x12];
	(tm) =	ssettm $0x1  }
0x97: {  	s5 =	sld [smem:$0x3FFB];
	_ =	sdelay $0x3  }
0x98: {  	_ =	strace s5  }
0x99: {  	s5 =	sld [smem:$0x3FFC];
	_ =	sdelay $0x3  }
0x9a: {  	_ =	strace s5  }
0x9b: {  	s5 =	sld [smem:$0x3FFD];
	_ =	sdelay $0x3  }
0x9c: {  	_ =	strace s5  }
0x9d: {  	_ =	strace $0x8FFFFFFF  }
0x9e: {  	s20 =	sld [smem:$0x3FDB];
	_ =	sdelay $0x1  }
0x9f: {  	s6 =	simm.s32 $_scs_section_size  }
0xa0: {  	s7 =	simm.s32 $_size__tile_overlayer_lowered;
	s8 =	simm.s32 $_tile_overlayer_lowered  }
0xa1: {  	s23 =	simm.s32 $0x1BFF;
	s22 =	sshll.u32 s8, $0x1;
	s5 =	sadd.s32 s6, s20  }
0xa2: {  	s9 =	simm.s32 $0x0;
	s21 =	sshll.u32 s7, $0x1;
	s7 =	sadd.s32 s22, s5  }
0xa3: {  	[timem:s9], [sflag:s23] =	dma.local [hbm:s7], s21  }
0xa4: {  	_ =	swait.ge [sflag:s23], s21  }
0xa5: {  	s6 =	ssub.s32 $0x0, s21;
	[sflag:s23] =	ssyncset.done $0x0  }
0xa6: {  	[sflag:s23] =	ssyncadd.s32 s6;
	_ =	sdelay $0x1  }
0xa7: {  	s24 =	simm.s32 $0x1B8B  }
0xa8: {  	_ =	swait.ge [sflag:s24], $0x1  }
0xa9: {  	[sflag:s24] =	ssyncset.done $0x0  }
0xaa: {  	s25 =	simm.s32 $0x1B8E;
	[sflag:s24] =	ssyncadd.s32 $0xFFFFFFFF  }
0xab: {  	s26 =	simm.s32 $execute0_lowered;
	[smem:$0x3FD2] =	sst s25  }
0xac: {  	s6 =	sshll.u32 s26, $0x1;
	_ =	strace $0x80000046;
	[dreg:$0x1] =	wrdreg $0xFFFFFFFF  }
0xad: {  	s28 =	simm.s32 $_size_execute0_lowered;
	s5 =	sadd.s32 s5, s6;
	[dreg:$0x0] =	wrdreg $0x0  }
0xae: {  	s6 =	sshll.u32 s28, $0x1;
	[dreg:$0x2] =	wrdreg s5  }
0xaf: {  	[dreg:$0x3] =	wrdreg s6  }
0xb0: {  	[dreg:$0x4] =	wrdreg $0xC0  }
0xb1: {  	_ =	task [dreg:s9], $0x5FFFF  }
0xb2: {  	[dreg:$0x1] =	wrdreg $0xFFFFFFFF  }
0xb3: {  	[dreg:$0x0] =	wrdreg $0x60  }
0xb4: {  	[dreg:$0x2] =	wrdreg s19  }
0xb5: {  	[dreg:$0x3] =	wrdreg s17  }
0xb6: {  	[dreg:$0x4] =	wrdreg s18  }
0xb7: {  	[dreg:$0x5] =	wrdreg $0x9  }
0xb8: {  	_ =	task.clear_ibuf [dreg:s9], $0x6FFFF;
	_ =	strace $0x90000046  }
0xb9: {  	s29 =	simm.s32 $0x9;
	_ =	strace $0x80000048  }
0xba: {  	_ =	swait.ge [sflag:s29], $0x1  }
0xbb: {  	[sflag:s29] =	ssyncadd.s32 $0xFFFFFFFF  }
0xbc: {  	_ =	strace $0x90000048  }
0xbd: {  	_ =	sfence  }
0xbe: {  	s30 =	sld [smem:$0x0];
	_ =	sdelay $0x2  }
0xbf: {  	s31 =	sshll.u32 s1, $0xD;
	s1 =	sshrl.u32 s1, $0x2  }
0xc0: {  	s3 =	sand.u32 $0x4000, s31;
	s1 =	sadd.s32 s1, s30  }
0xc1: {  	s0 =	sor.u32 s3, s0;
	s1 =	sshll.u32 s1, $0x11  }
0xc2: {  	s0 =	sor.u32 s1, s0  }
0xc3: {  	s0 =	sadd.s32 $0x8F2B, s0  }
0xc4: {  	[sflag:s0] =	ssyncadd.remote.s32 $0x1  }
0xc5: {  	_ =	sfence.sel $0xFFFF  }
0xc6: {  	[dreg:$0x0] =	wrdreg $0xFFFFFFFF;
	(pc) =	sbr.abs _section_cstart, $3  }
0xc7: {  	[dreg:$0x1] =	wrdreg $0xFFFFFFFF  }
0xc8: {  	_ =	task.clear_ibuf [dreg:s9], $0x2FFFF;
	_ =	strace $0x9FFFFFFF  }
0xc9: {  	(tm) =	ssettm $0x7FFFFFFF  }
tec
execute0_lowered:
.L_overlay_start_1:
0x0: {  	(tag) =	ssettag $0x1  }
0x1: {  	s3 =	rddreg [dreg:$0x0]  }
0x2: {  	s4 =	rddreg [dreg:$0x1]  }
0x3: {  	s5 =	rddreg [dreg:$0x2];
	s1 =	stileid.u32  }
0x4: {  	s0 =	rddreg [dreg:$0x3];
	s6 =	srdreg.scid;
	s2 =	simm.s32 $0x0  }
0x5: {  	s11 =	simm.s32 $0x4800;
	s12 =	simm.s32 $0x0;
	s7 =	sshll.u32 s1, $0x1  }
0x6: {  	s6 =	sand.u32 $0x1, s6;
	[smem:$0x7FF] =	sst s2;
	s7 =	sand.u32 $0xE, s7  }
0x7: {  	s8 =	sshrl.u32 s1, $0x3;
	_ =	strace $0x80000047;
	s7 =	sor.u32 s6, s7  }
0x8: {  	s9 =	sshll.u32 s8, $0x12;
	s6 =	ssub.s32 $0x2, s6;
	s7 =	sshll.u32 s7, $0xB  }
0x9: {  	s8 =	sshll.u32 s8, $0xF;
	s10 =	sshrl.u32 s6, $0x1;
	s9 =	sor.u32 s9, s7  }
0xa: {  	s7 =	sor.u32 s8, s7;
	s6 =	ssub.s32 s6, s10;
	s8 =	simm.s32 $0x8000  }
0xb: {  	s10 =	simm.s32 $0x4000;
	s9 =	sshrl.u32 s9, $0x3;
	s7 =	sshrl.u32 s7, $0x3  }
0xc: {  	s6 =	smax.u32 s6, $0x1;
	s3 =	sadd.s32 s3, s9;
	s4 =	sadd.s32 s4, s7  }
0xd: {  	s5 =	sadd.s32 s5, s7;
	s7 =	simm.s32 $0x800;
	s9 =	simm.s32 $0x1  }
.LBB2_1:
0xe: {  	[tilespmem:s2], [sflag:$0x1] =	stream.strided.gather [hbm4b:s3+s7], $0x4000, s8, s7, $0x38;
	[tilespmem:$0x5000] =	vst v63  }
0xf: {  	_ =	swait.ge [sflag:s9], $0x4000  }
0x10: {  	s13 =	simm.s32 $0x0;
	[sflag:s9] =	ssyncset.done $0x0  }
0x11: {  	s14 =	simm.s32 $0x0;
	s15 =	simm.s32 $0x0;
	[sflag:s9] =	ssyncadd.s32 $0xFFFFC000  }
.LBB2_2:
0x12: {  	v16 =	vimm.f32 $-Inf;
	v2 =	vimm.s32 $0x0  }
0x13: {  	v0 =	vimm.s32 $0x0;
	v1 =	vimm.s32 $0x0;
	v3 =	vimm.s32 $0x0  }
0x14: {  	v4 =	vimm.s32 $0x0;
	v5 =	vimm.s32 $0x0;
	v6 =	vimm.s32 $0x0  }
0x15: {  	v12 =	vimm.s32 $0x0;
	v7 =	vimm.s32 $0x0;
	v8 =	vimm.s32 $0x0  }
0x16: {  	v9 =	vimm.s32 $0x0;
	v10 =	vimm.s32 $0x0;
	v11 =	vimm.s32 $0x0  }
0x17: {  	s16 =	sshll.u32 s14, $0x2;
	s17 =	sand.u32 $0x3, s13;
	v13 =	vimm.s32 $0x0;
	v14 =	vimm.s32 $0x0;
	v15 =	vimm.s32 $0x0  }
0x18: {  	v17 =	vimm.f32 $-Inf;
	v18 =	vimm.f32 $-Inf;
	v19 =	vimm.f32 $-Inf;
	s16 =	sand.u32 $0xFFFFF000, s16;
	s17 =	sshll.u32 s17, $0x7  }
0x19: {  	v20 =	vimm.f32 $-Inf;
	v22 =	vimm.f32 $-Inf;
	v23 =	vimm.f32 $-Inf;
	s16 =	sor.u32 s17, s16  }
0x1a: {  	v21 =	vimm.f32 $-Inf;
	v24 =	vimm.f32 $-Inf;
	v25 =	vimm.f32 $-Inf;
	s16 =	sshrl.u32 s16, $0x2  }
0x1b: {  	s19 =	sshll.u32 s15, $0x5;
	v26 =	vimm.f32 $-Inf;
	v27 =	vimm.f32 $-Inf;
	v28 =	vimm.f32 $-Inf;
	s20 =	sor.u32 $0x200, s16;
	s16 =	sshll.u32 s15, $0x8  }
0x1c: {  	s21 =	simm.s32 $0x0;
	v30 =	vimm.f32 $-Inf;
	v31 =	vimm.f32 $-Inf;
	v29 =	vimm.f32 $-Inf;
	s18 =	sand.u32 $0x60, s19;
	s17 =	sand.u32 $0x400, s16  }
.LBB2_3:
0x1d: {  	v32 =	vld [tilespmem:s20+$0xFFFFFE00];
	_ =	sdelay $0x4  }
0x1e: {  	vm0 =	vgt.f32 v32, v29;
	v33 =	vmax.f32 v32, v29  }
0x1f: {  	v29 =	vmin.f32 v32, v29;
	v37 =	vsel vm0, s21, v15;
	v15 =	vnsel vm0, s21, v15  }
0x20: {  	vm11 =	vgt.f32 v29, v31;
	v34 =	vmax.f32 v29, v31;
	v29 =	vmin.f32 v29, v31  }
0x21: {  	v31 =	vsel vm11, v15, v14;
	v14 =	vsel vm11, v14, v15;
	vm12 =	vgt.f32 v29, v30  }
0x22: {  	v15 =	vmax.f32 v29, v30;
	v29 =	vmin.f32 v29, v30;
	v30 =	vsel vm12, v14, v13  }
0x23: {  	v13 =	vsel vm12, v13, v14;
	vm13 =	vgt.f32 v29, v28;
	v14 =	vmax.f32 v29, v28  }
0x24: {  	v28 =	vmin.f32 v29, v28;
	v29 =	vsel vm13, v13, v11;
	v11 =	vsel vm13, v11, v13  }
0x25: {  	vm14 =	vgt.f32 v28, v27;
	v13 =	vmax.f32 v28, v27;
	v27 =	vmin.f32 v28, v27  }
0x26: {  	v28 =	vsel vm14, v11, v10;
	v10 =	vsel vm14, v10, v11;
	vm15 =	vgt.f32 v27, v26;
	v11 =	vld [tilespmem:s20+$0xFFFFFE10]  }
0x27: {  	v35 =	vmax.f32 v27, v26;
	v26 =	vmin.f32 v27, v26;
	v27 =	vsel vm15, v10, v9  }
0x28: {  	v9 =	vsel vm15, v9, v10;
	vm4 =	vgt.f32 v26, v25;
	v10 =	vmin.f32 v26, v25  }
0x29: {  	v25 =	vmax.f32 v26, v25;
	v26 =	vsel vm4, v8, v9;
	vm1 =	vgt.f32 v10, v24  }
0x2a: {  	v8 =	vsel vm4, v9, v8;
	v9 =	vmax.f32 v10, v24;
	v7 =	vsel vm1, v26, v7  }
0x2b: {  	vm5 =	vgt.f32 v11, v21;
	v10 =	vmax.f32 v11, v21;
	v11 =	vmin.f32 v11, v21  }
0x2c: {  	v26 =	vld [tilespmem:s20+$0xFFFFFE80];
	v21 =	vsel vm5, s21, v12;
	v12 =	vnsel vm5, s21, v12;
	vm6 =	vgt.f32 v11, v23  }
0x2d: {  	v24 =	vmax.f32 v11, v23;
	v11 =	vmin.f32 v11, v23;
	v23 =	vsel vm6, v12, v6  }
0x2e: {  	v6 =	vsel vm6, v6, v12;
	vm7 =	vgt.f32 v11, v22;
	v12 =	vmax.f32 v11, v22  }
0x2f: {  	v11 =	vmin.f32 v11, v22;
	v22 =	vsel vm7, v6, v5;
	v5 =	vsel vm7, v5, v6  }
0x30: {  	vm8 =	vgt.f32 v11, v20;
	v6 =	vmax.f32 v11, v20;
	v11 =	vmin.f32 v11, v20  }
0x31: {  	vm13 =	vgt.f32 v26, v33;
	v20 =	vsel vm8, v5, v4;
	v4 =	vsel vm8, v4, v5  }
0x32: {  	vm9 =	vgt.f32 v11, v19;
	v5 =	vmax.f32 v11, v19;
	v11 =	vmin.f32 v11, v19  }
0x33: {  	v19 =	vsel vm9, v4, v3;
	v3 =	vsel vm9, v3, v4;
	vm10 =	vgt.f32 v11, v18  }
0x34: {  	v4 =	vmax.f32 v11, v18;
	v11 =	vmin.f32 v11, v18;
	v18 =	vsel vm10, v3, v1  }
0x35: {  	v1 =	vsel vm10, v1, v3;
	vm11 =	vgt.f32 v11, v17;
	v3 =	vmax.f32 v11, v17  }
0x36: {  	v11 =	vmin.f32 v11, v17;
	v17 =	vsel vm11, v1, v0;
	v0 =	vsel vm11, v0, v1  }
0x37: {  	s22 =	sadd.s32 $0x1, s21;
	vm12 =	vgt.f32 v11, v16;
	v1 =	vmax.f32 v11, v16;
	v11 =	vmin.f32 v26, v33  }
0x38: {  	v16 =	vsel vm13, s22, v37;
	v0 =	vsel vm12, v0, v2;
	v2 =	vmax.f32 v26, v33  }
0x39: {  	v26 =	vnsel vm13, s22, v37;
	vm14 =	vgt.f32 v11, v34;
	v38 =	vmax.f32 v11, v34  }
0x3a: {  	v11 =	vmin.f32 v11, v34;
	v39 =	vsel vm14, v26, v31;
	v26 =	vsel vm14, v31, v26  }
0x3b: {  	vm15 =	vgt.f32 v11, v15;
	v31 =	vmax.f32 v11, v15;
	v11 =	vmin.f32 v11, v15  }
0x3c: {  	v15 =	vsel vm15, v26, v30;
	v26 =	vsel vm15, v30, v26;
	vm4 =	vgt.f32 v11, v14  }
0x3d: {  	v30 =	vmax.f32 v11, v14;
	v11 =	vmin.f32 v11, v14;
	v14 =	vsel vm4, v26, v29  }
0x3e: {  	v26 =	vsel vm4, v29, v26;
	vm5 =	vgt.f32 v11, v13;
	v29 =	vmax.f32 v11, v13  }
0x3f: {  	v11 =	vmin.f32 v11, v13;
	v13 =	vsel vm5, v26, v28;
	v26 =	vsel vm5, v28, v26;
	v28 =	vld [tilespmem:s20+$0xFFFFFE90]  }
0x40: {  	vm6 =	vgt.f32 v11, v35;
	v40 =	vmax.f32 v11, v35;
	v11 =	vmin.f32 v11, v35  }
0x41: {  	v41 =	vsel vm6, v26, v27;
	v26 =	vsel vm6, v27, v26;
	vm7 =	vgt.f32 v11, v25  }
0x42: {  	v27 =	vmax.f32 v11, v25;
	v11 =	vmin.f32 v11, v25;
	v25 =	vsel vm7, v26, v8  }
0x43: {  	v8 =	vsel vm7, v8, v26;
	vm8 =	vgt.f32 v11, v9;
	v9 =	vmax.f32 v11, v9  }
0x44: {  	v7 =	vsel vm8, v8, v7;
	vm9 =	vgt.f32 v28, v10;
	v8 =	vmax.f32 v28, v10  }
0x45: {  	v10 =	vmin.f32 v28, v10;
	v11 =	vsel vm9, s22, v21;
	v21 =	vnsel vm9, s22, v21  }
0x46: {  	vm10 =	vgt.f32 v10, v24;
	v26 =	vmax.f32 v10, v24;
	v10 =	vmin.f32 v10, v24  }
0x47: {  	v24 =	vsel vm10, v21, v23;
	v21 =	vsel vm10, v23, v21;
	vm11 =	vgt.f32 v10, v12  }
0x48: {  	v42 =	vld [tilespmem:s20+$0xFFFFFF10];
	v23 =	vmax.f32 v10, v12;
	v10 =	vmin.f32 v10, v12;
	v12 =	vsel vm11, v21, v22  }
0x49: {  	v21 =	vsel vm11, v22, v21;
	vm12 =	vgt.f32 v10, v6;
	v22 =	vmax.f32 v10, v6  }
0x4a: {  	v6 =	vmin.f32 v10, v6;
	v10 =	vsel vm12, v21, v20;
	v20 =	vsel vm12, v20, v21  }
0x4b: {  	vm13 =	vgt.f32 v6, v5;
	v21 =	vmax.f32 v6, v5;
	v5 =	vmin.f32 v6, v5  }
0x4c: {  	v6 =	vsel vm13, v20, v19;
	v19 =	vsel vm13, v19, v20;
	vm14 =	vgt.f32 v5, v4;
	v20 =	vld [tilespmem:s20+$0xFFFFFF00]  }
0x4d: {  	v28 =	vmax.f32 v5, v4;
	v4 =	vmin.f32 v5, v4;
	vm13 =	vgt.f32 v42, v8  }
0x4e: {  	v5 =	vsel vm14, v19, v18;
	v18 =	vsel vm14, v18, v19;
	vm15 =	vgt.f32 v4, v3  }
0x4f: {  	v19 =	vmin.f32 v4, v3;
	v3 =	vmax.f32 v4, v3;
	v4 =	vsel vm15, v17, v18  }
0x50: {  	vm4 =	vgt.f32 v19, v1;
	v17 =	vsel vm15, v18, v17;
	v1 =	vmax.f32 v19, v1  }
0x51: {  	s25 =	sadd.s32 $0x2, s21;
	v0 =	vsel vm4, v4, v0;
	vm5 =	vgt.f32 v20, v2;
	v4 =	vmax.f32 v20, v2  }
0x52: {  	v2 =	vmin.f32 v20, v2;
	v18 =	vsel vm5, s25, v16;
	v16 =	vnsel vm5, s25, v16  }
0x53: {  	vm6 =	vgt.f32 v2, v38;
	v19 =	vmax.f32 v2, v38;
	v2 =	vmin.f32 v2, v38  }
0x54: {  	v20 =	vsel vm6, v16, v39;
	v16 =	vsel vm6, v39, v16;
	vm7 =	vgt.f32 v2, v31  }
0x55: {  	v32 =	vmax.f32 v2, v31;
	v2 =	vmin.f32 v2, v31;
	v31 =	vsel vm7, v16, v15  }
0x56: {  	v15 =	vsel vm7, v15, v16;
	vm8 =	vgt.f32 v2, v30;
	v16 =	vmax.f32 v2, v30  }
0x57: {  	v2 =	vmin.f32 v2, v30;
	v30 =	vsel vm8, v15, v14;
	v14 =	vsel vm8, v14, v15  }
0x58: {  	vm9 =	vgt.f32 v2, v29;
	v15 =	vmax.f32 v2, v29;
	v2 =	vmin.f32 v2, v29  }
0x59: {  	v29 =	vsel vm9, v14, v13;
	v13 =	vsel vm9, v13, v14;
	vm10 =	vgt.f32 v2, v40  }
0x5a: {  	v14 =	vmax.f32 v2, v40;
	v2 =	vmin.f32 v2, v40;
	v43 =	vsel vm10, v13, v41  }
0x5b: {  	v13 =	vsel vm10, v41, v13;
	vm11 =	vgt.f32 v2, v27;
	v44 =	vmax.f32 v2, v27  }
0x5c: {  	v2 =	vmin.f32 v2, v27;
	v27 =	vsel vm11, v13, v25;
	v13 =	vsel vm11, v25, v13  }
0x5d: {  	vm12 =	vgt.f32 v2, v9;
	v2 =	vmax.f32 v2, v9;
	v9 =	vmax.f32 v42, v8  }
0x5e: {  	v8 =	vmin.f32 v42, v8;
	v7 =	vsel vm12, v13, v7;
	v13 =	vsel vm13, s25, v11  }
0x5f: {  	v11 =	vnsel vm13, s25, v11;
	vm14 =	vgt.f32 v8, v26;
	v25 =	vmax.f32 v8, v26  }
0x60: {  	v8 =	vmin.f32 v8, v26;
	v26 =	vsel vm14, v11, v24;
	v11 =	vsel vm14, v24, v11  }
0x61: {  	vm15 =	vgt.f32 v8, v23;
	v24 =	vmax.f32 v8, v23;
	v8 =	vmin.f32 v8, v23  }
0x62: {  	v23 =	vsel vm15, v11, v12;
	v11 =	vsel vm15, v12, v11;
	vm4 =	vgt.f32 v8, v22  }
0x63: {  	v12 =	vmax.f32 v8, v22;
	v8 =	vmin.f32 v8, v22;
	v22 =	vsel vm4, v11, v10  }
0x64: {  	v10 =	vsel vm4, v10, v11;
	vm5 =	vgt.f32 v8, v21;
	v11 =	vmax.f32 v8, v21  }
0x65: {  	v8 =	vmin.f32 v8, v21;
	v21 =	vsel vm5, v10, v6;
	v6 =	vsel vm5, v6, v10;
	v10 =	vld [tilespmem:s20+$0xFFFFFF80]  }
0x66: {  	vm6 =	vgt.f32 v8, v28;
	v45 =	vmax.f32 v8, v28;
	v8 =	vmin.f32 v8, v28  }
0x67: {  	v28 =	vsel vm6, v6, v5;
	v5 =	vsel vm6, v5, v6;
	vm7 =	vgt.f32 v8, v3  }
0x68: {  	v6 =	vmax.f32 v8, v3;
	v3 =	vmin.f32 v8, v3;
	v8 =	vsel vm7, v5, v17  }
0x69: {  	v5 =	vsel vm7, v17, v5;
	vm8 =	vgt.f32 v3, v1;
	v1 =	vmax.f32 v3, v1  }
0x6a: {  	s26 =	sadd.s32 $0x3, s21;
	v0 =	vsel vm8, v5, v0;
	vm9 =	vgt.f32 v10, v4;
	v3 =	vmax.f32 v10, v4  }
0x6b: {  	v4 =	vmin.f32 v10, v4;
	v5 =	vsel vm9, s26, v18;
	v10 =	vnsel vm9, s26, v18  }
0x6c: {  	vm10 =	vgt.f32 v4, v19;
	v17 =	vmax.f32 v4, v19;
	v4 =	vmin.f32 v4, v19  }
0x6d: {  	v18 =	vsel vm10, v10, v20;
	v10 =	vsel vm10, v20, v10;
	vm11 =	vgt.f32 v4, v32  }
0x6e: {  	v50 =	vld [tilespmem:s20+$0x0];
	v19 =	vmax.f32 v4, v32;
	v4 =	vmin.f32 v4, v32;
	v20 =	vsel vm11, v10, v31  }
0x6f: {  	v10 =	vsel vm11, v31, v10;
	vm12 =	vgt.f32 v4, v16;
	v31 =	vmax.f32 v4, v16  }
0x70: {  	v4 =	vmin.f32 v4, v16;
	v16 =	vsel vm12, v10, v30;
	v10 =	vsel vm12, v30, v10  }
0x71: {  	vm13 =	vgt.f32 v4, v15;
	v30 =	vmax.f32 v4, v15;
	v4 =	vmin.f32 v4, v15  }
0x72: {  	v15 =	vsel vm13, v10, v29;
	v10 =	vsel vm13, v29, v10;
	vm14 =	vgt.f32 v4, v14;
	v29 =	vld [tilespmem:s20+$0xFFFFFF90]  }
0x73: {  	v46 =	vmax.f32 v4, v14;
	v4 =	vmin.f32 v4, v14;
	vm13 =	vgt.f32 v50, v3  }
0x74: {  	v14 =	vsel vm14, v10, v43;
	v10 =	vsel vm14, v43, v10;
	vm15 =	vgt.f32 v4, v44  }
0x75: {  	v47 =	vmin.f32 v4, v44;
	v4 =	vmax.f32 v4, v44;
	v48 =	vsel vm15, v27, v10  }
0x76: {  	vm4 =	vgt.f32 v47, v2;
	v10 =	vsel vm15, v10, v27;
	v2 =	vmax.f32 v47, v2  }
0x77: {  	v7 =	vsel vm4, v48, v7;
	vm5 =	vgt.f32 v29, v9;
	v27 =	vmax.f32 v29, v9  }
0x78: {  	v9 =	vmin.f32 v29, v9;
	v29 =	vsel vm5, s26, v13;
	v13 =	vnsel vm5, s26, v13  }
0x79: {  	vm6 =	vgt.f32 v9, v25;
	v49 =	vmax.f32 v9, v25;
	v9 =	vmin.f32 v9, v25  }
0x7a: {  	v25 =	vsel vm6, v13, v26;
	v13 =	vsel vm6, v26, v13;
	vm7 =	vgt.f32 v9, v24  }
0x7b: {  	v26 =	vmax.f32 v9, v24;
	v9 =	vmin.f32 v9, v24;
	v24 =	vsel vm7, v13, v23  }
0x7c: {  	v13 =	vsel vm7, v23, v13;
	vm8 =	vgt.f32 v9, v12;
	v23 =	vmax.f32 v9, v12  }
0x7d: {  	v9 =	vmin.f32 v9, v12;
	v12 =	vsel vm8, v13, v22;
	v13 =	vsel vm8, v22, v13  }
0x7e: {  	vm9 =	vgt.f32 v9, v11;
	v22 =	vmax.f32 v9, v11;
	v9 =	vmin.f32 v9, v11  }
0x7f: {  	v11 =	vsel vm9, v13, v21;
	v13 =	vsel vm9, v21, v13;
	vm10 =	vgt.f32 v9, v45  }
0x80: {  	v21 =	vmax.f32 v9, v45;
	v9 =	vmin.f32 v9, v45;
	v51 =	vsel vm10, v13, v28  }
0x81: {  	v13 =	vsel vm10, v28, v13;
	vm11 =	vgt.f32 v9, v6;
	v28 =	vmax.f32 v9, v6  }
0x82: {  	v6 =	vmin.f32 v9, v6;
	v9 =	vsel vm11, v13, v8;
	v8 =	vsel vm11, v8, v13  }
0x83: {  	s28 =	sadd.s32 $0x4, s21;
	vm12 =	vgt.f32 v6, v1;
	v1 =	vmax.f32 v6, v1;
	v6 =	vmax.f32 v50, v3  }
0x84: {  	v3 =	vmin.f32 v50, v3;
	v0 =	vsel vm12, v8, v0;
	v8 =	vsel vm13, s28, v5  }
0x85: {  	v5 =	vnsel vm13, s28, v5;
	vm14 =	vgt.f32 v3, v17;
	v13 =	vmax.f32 v3, v17  }
0x86: {  	v3 =	vmin.f32 v3, v17;
	v17 =	vsel vm14, v5, v18;
	v5 =	vsel vm14, v18, v5  }
0x87: {  	vm15 =	vgt.f32 v3, v19;
	v18 =	vmax.f32 v3, v19;
	v3 =	vmin.f32 v3, v19  }
0x88: {  	v19 =	vsel vm15, v5, v20;
	v5 =	vsel vm15, v20, v5;
	vm4 =	vgt.f32 v3, v31  }
0x89: {  	v20 =	vmax.f32 v3, v31;
	v3 =	vmin.f32 v3, v31;
	v31 =	vsel vm4, v5, v16  }
0x8a: {  	v5 =	vsel vm4, v16, v5;
	vm5 =	vgt.f32 v3, v30;
	v16 =	vmax.f32 v3, v30  }
0x8b: {  	v3 =	vmin.f32 v3, v30;
	v30 =	vsel vm5, v5, v15;
	v5 =	vsel vm5, v15, v5;
	v15 =	vld [tilespmem:s20+$0x10]  }
0x8c: {  	vm6 =	vgt.f32 v3, v46;
	v52 =	vmax.f32 v3, v46;
	v3 =	vmin.f32 v3, v46  }
0x8d: {  	v53 =	vsel vm6, v5, v14;
	v5 =	vsel vm6, v14, v5;
	vm7 =	vgt.f32 v3, v4  }
0x8e: {  	v14 =	vmax.f32 v3, v4;
	v3 =	vmin.f32 v3, v4;
	v4 =	vsel vm7, v5, v10  }
0x8f: {  	v5 =	vsel vm7, v10, v5;
	vm8 =	vgt.f32 v3, v2;
	v2 =	vmax.f32 v3, v2  }
0x90: {  	v3 =	vsel vm8, v5, v7;
	vm9 =	vgt.f32 v15, v27;
	v5 =	vmax.f32 v15, v27  }
0x91: {  	v7 =	vmin.f32 v15, v27;
	v10 =	vsel vm9, s28, v29;
	v15 =	vnsel vm9, s28, v29  }
0x92: {  	vm10 =	vgt.f32 v7, v49;
	v27 =	vmax.f32 v7, v49;
	v7 =	vmin.f32 v7, v49  }
0x93: {  	v29 =	vsel vm10, v15, v25;
	v15 =	vsel vm10, v25, v15;
	vm11 =	vgt.f32 v7, v26  }
0x94: {  	v25 =	vmax.f32 v7, v26;
	v7 =	vmin.f32 v7, v26;
	v26 =	vsel vm11, v15, v24  }
0x95: {  	v15 =	vsel vm11, v24, v15;
	vm12 =	vgt.f32 v7, v23;
	v24 =	vmax.f32 v7, v23  }
0x96: {  	v7 =	vmin.f32 v7, v23;
	v23 =	vsel vm12, v15, v12;
	v12 =	vsel vm12, v12, v15  }
0x97: {  	vm13 =	vgt.f32 v7, v22;
	v15 =	vmax.f32 v7, v22;
	v7 =	vmin.f32 v7, v22  }
0x98: {  	v22 =	vsel vm13, v12, v11;
	v11 =	vsel vm13, v11, v12;
	vm14 =	vgt.f32 v7, v21;
	v12 =	vld [tilespmem:s20+$0x80]  }
0x99: {  	v54 =	vmax.f32 v7, v21;
	v7 =	vmin.f32 v7, v21;
	v21 =	vsel vm14, v11, v51  }
0x9a: {  	v11 =	vsel vm14, v51, v11;
	vm15 =	vgt.f32 v7, v28;
	v55 =	vmin.f32 v7, v28  }
0x9b: {  	v7 =	vmax.f32 v7, v28;
	v28 =	vsel vm15, v9, v11;
	vm4 =	vgt.f32 v55, v1  }
0x9c: {  	v9 =	vsel vm15, v11, v9;
	v1 =	vmax.f32 v55, v1;
	v0 =	vsel vm4, v28, v0  }
0x9d: {  	s29 =	sadd.s32 $0x5, s21;
	vm5 =	vgt.f32 v12, v6;
	v11 =	vmax.f32 v12, v6;
	v6 =	vmin.f32 v12, v6  }
0x9e: {  	v28 =	vsel vm5, s29, v8;
	v8 =	vnsel vm5, s29, v8;
	vm6 =	vgt.f32 v6, v13  }
0x9f: {  	v56 =	vmax.f32 v6, v13;
	v6 =	vmin.f32 v6, v13;
	v13 =	vsel vm6, v8, v17  }
0xa0: {  	v8 =	vsel vm6, v17, v8;
	vm7 =	vgt.f32 v6, v18;
	v17 =	vmax.f32 v6, v18  }
0xa1: {  	v12 =	vld [tilespmem:s20+$0x90];
	v6 =	vmin.f32 v6, v18;
	v18 =	vsel vm7, v8, v19;
	v8 =	vsel vm7, v19, v8  }
0xa2: {  	vm8 =	vgt.f32 v6, v20;
	v19 =	vmax.f32 v6, v20;
	v6 =	vmin.f32 v6, v20  }
0xa3: {  	v20 =	vsel vm8, v8, v31;
	v8 =	vsel vm8, v31, v8;
	vm9 =	vgt.f32 v6, v16  }
0xa4: {  	v31 =	vmax.f32 v6, v16;
	v6 =	vmin.f32 v6, v16;
	v36 =	vsel vm9, v8, v30  }
0xa5: {  	v8 =	vsel vm9, v30, v8;
	vm10 =	vgt.f32 v6, v52;
	v30 =	vmax.f32 v6, v52  }
0xa6: {  	v6 =	vmin.f32 v6, v52;
	vm13 =	vgt.f32 v12, v5;
	v57 =	vsel vm10, v8, v53  }
0xa7: {  	v8 =	vsel vm10, v53, v8;
	vm11 =	vgt.f32 v6, v14;
	v58 =	vmax.f32 v6, v14  }
0xa8: {  	v6 =	vmin.f32 v6, v14;
	v14 =	vsel vm11, v8, v4;
	v4 =	vsel vm11, v4, v8  }
0xa9: {  	v16 =	vld [tilespmem:s20+$0x100];
	vm12 =	vgt.f32 v6, v2;
	v6 =	vmax.f32 v6, v2;
	v2 =	vmin.f32 v12, v5  }
0xaa: {  	v8 =	vnsel vm13, s29, v10;
	v3 =	vsel vm12, v4, v3;
	v4 =	vmax.f32 v12, v5  }
0xab: {  	v5 =	vsel vm13, s29, v10;
	vm14 =	vgt.f32 v2, v27;
	v10 =	vmax.f32 v2, v27  }
0xac: {  	v2 =	vmin.f32 v2, v27;
	v27 =	vsel vm14, v8, v29;
	v8 =	vsel vm14, v29, v8  }
0xad: {  	vm15 =	vgt.f32 v2, v25;
	v29 =	vmax.f32 v2, v25;
	v2 =	vmin.f32 v2, v25  }
0xae: {  	vm9 =	vgt.f32 v16, v11;
	v12 =	vmax.f32 v16, v11;
	v25 =	vsel vm15, v8, v26  }
0xaf: {  	v8 =	vsel vm15, v26, v8;
	vm4 =	vgt.f32 v2, v24;
	v26 =	vmax.f32 v2, v24  }
0xb0: {  	v2 =	vmin.f32 v2, v24;
	v24 =	vsel vm4, v8, v23;
	v8 =	vsel vm4, v23, v8  }
0xb1: {  	vm5 =	vgt.f32 v2, v15;
	v23 =	vmax.f32 v2, v15;
	v2 =	vmin.f32 v2, v15  }
0xb2: {  	v15 =	vsel vm5, v8, v22;
	v8 =	vsel vm5, v22, v8;
	vm6 =	vgt.f32 v2, v54  }
0xb3: {  	v22 =	vmax.f32 v2, v54;
	v2 =	vmin.f32 v2, v54;
	v59 =	vsel vm6, v8, v21  }
0xb4: {  	v8 =	vsel vm6, v21, v8;
	vm7 =	vgt.f32 v2, v7;
	v21 =	vmax.f32 v2, v7  }
0xb5: {  	v2 =	vmin.f32 v2, v7;
	v7 =	vsel vm7, v8, v9;
	v8 =	vsel vm7, v9, v8  }
0xb6: {  	s30 =	sadd.s32 $0x6, s21;
	vm8 =	vgt.f32 v2, v1;
	v2 =	vmax.f32 v2, v1;
	v1 =	vmin.f32 v16, v11  }
0xb7: {  	v9 =	vnsel vm9, s30, v28;
	v0 =	vsel vm8, v8, v0;
	v8 =	vsel vm9, s30, v28  }
0xb8: {  	vm10 =	vgt.f32 v1, v56;
	v16 =	vmax.f32 v1, v56;
	v1 =	vmin.f32 v1, v56  }
0xb9: {  	v11 =	vsel vm10, v9, v13;
	v9 =	vsel vm10, v13, v9;
	vm11 =	vgt.f32 v1, v17  }
0xba: {  	v28 =	vmax.f32 v1, v17;
	v1 =	vmin.f32 v1, v17;
	v17 =	vsel vm11, v9, v18  }
0xbb: {  	v9 =	vsel vm11, v18, v9;
	vm12 =	vgt.f32 v1, v19;
	v18 =	vmax.f32 v1, v19  }
0xbc: {  	v1 =	vmin.f32 v1, v19;
	v19 =	vsel vm12, v9, v20;
	v9 =	vsel vm12, v20, v9  }
0xbd: {  	v13 =	vld [tilespmem:s20+$0x110];
	vm13 =	vgt.f32 v1, v31;
	v20 =	vmax.f32 v1, v31;
	v1 =	vmin.f32 v1, v31  }
0xbe: {  	v31 =	vsel vm13, v9, v36;
	v9 =	vsel vm13, v36, v9;
	vm14 =	vgt.f32 v1, v30  }
0xbf: {  	v49 =	vld [tilespmem:s20+$0x190];
	v33 =	vmax.f32 v1, v30;
	v1 =	vmin.f32 v1, v30;
	v30 =	vsel vm14, v9, v57  }
0xc0: {  	v9 =	vsel vm14, v57, v9;
	vm15 =	vgt.f32 v1, v58;
	v60 =	vmin.f32 v1, v58  }
0xc1: {  	v32 =	vmax.f32 v1, v58;
	v1 =	vsel vm15, v14, v9;
	vm4 =	vgt.f32 v60, v6  }
0xc2: {  	v61 =	vsel vm15, v9, v14;
	v35 =	vmax.f32 v60, v6;
	vm5 =	vgt.f32 v13, v4  }
0xc3: {  	v37 =	vmax.f32 v13, v4;
	v1 =	vsel vm4, v1, v3;
	v3 =	vmin.f32 v13, v4  }
0xc4: {  	v38 =	vsel vm5, s30, v5;
	v4 =	vnsel vm5, s30, v5;
	v63 =	vmin.f32 v49, v37  }
0xc5: {  	vm6 =	vgt.f32 v3, v10;
	v39 =	vmax.f32 v3, v10;
	v3 =	vmin.f32 v3, v10  }
0xc6: {  	v5 =	vsel vm6, v4, v27;
	v4 =	vsel vm6, v27, v4;
	vm7 =	vgt.f32 v3, v29  }
0xc7: {  	v40 =	vmax.f32 v3, v29;
	v3 =	vmin.f32 v3, v29;
	v51 =	vmin.f32 v63, v39  }
0xc8: {  	v27 =	vsel vm7, v4, v25;
	v4 =	vsel vm7, v25, v4;
	vm8 =	vgt.f32 v3, v26  }
0xc9: {  	v41 =	vmax.f32 v3, v26;
	v3 =	vmin.f32 v3, v26;
	vm2 =	vgt.f32 v51, v40  }
0xca: {  	v52 =	vmin.f32 v51, v40;
	v25 =	vsel vm8, v4, v24;
	v4 =	vsel vm8, v24, v4  }
0xcb: {  	vm9 =	vgt.f32 v3, v23;
	v42 =	vmax.f32 v3, v23;
	v3 =	vmin.f32 v3, v23  }
0xcc: {  	v53 =	vmin.f32 v52, v41;
	v23 =	vsel vm9, v4, v15;
	v4 =	vsel vm9, v15, v4  }
0xcd: {  	vm10 =	vgt.f32 v3, v22;
	v43 =	vmax.f32 v3, v22;
	v3 =	vmin.f32 v3, v22  }
0xce: {  	v24 =	vld [tilespmem:s20+$0x180];
	vm9 =	vgt.f32 v49, v37;
	v54 =	vmin.f32 v53, v42;
	v22 =	vsel vm10, v4, v59  }
0xcf: {  	v4 =	vsel vm10, v59, v4;
	vm11 =	vgt.f32 v3, v21;
	v62 =	vmax.f32 v3, v21  }
0xd0: {  	v21 =	vmin.f32 v3, v21;
	vm10 =	vgt.f32 v63, v39;
	v55 =	vmin.f32 v54, v43  }
0xd1: {  	v26 =	vsel vm11, v4, v7;
	v3 =	vsel vm11, v7, v4;
	vm12 =	vgt.f32 v21, v2  }
0xd2: {  	vm11 =	vgt.f32 v52, v41;
	v2 =	vmax.f32 v21, v2;
	v21 =	vmax.f32 v49, v37  }
0xd3: {  	s31 =	sadd.s32 $0x7, s21;
	v44 =	vsel vm12, v3, v0;
	vm12 =	vgt.f32 v53, v42;
	vm13 =	vgt.f32 v24, v12  }
0xd4: {  	v45 =	vmin.f32 v24, v12;
	v29 =	vmax.f32 v24, v12;
	v12 =	vsel vm9, s31, v38  }
0xd5: {  	v0 =	vnsel vm13, s31, v8;
	vm14 =	vgt.f32 v45, v16;
	v46 =	vmin.f32 v45, v16  }
0xd6: {  	v15 =	vsel vm13, s31, v8;
	vm13 =	vgt.f32 v54, v43;
	v3 =	vsel vm14, v11, v0  }
0xd7: {  	vm15 =	vgt.f32 v46, v28;
	v14 =	vsel vm14, v0, v11;
	v47 =	vmin.f32 v46, v28  }
0xd8: {  	vm14 =	vgt.f32 v55, v62;
	v0 =	vsel vm15, v17, v3;
	vm4 =	vgt.f32 v47, v18  }
0xd9: {  	v13 =	vsel vm15, v3, v17;
	v17 =	vmin.f32 v47, v18;
	v3 =	vsel vm4, v19, v0  }
0xda: {  	vm5 =	vgt.f32 v17, v20;
	v48 =	vmin.f32 v17, v20;
	v11 =	vsel vm4, v0, v19  }
0xdb: {  	v0 =	vsel vm5, v31, v3;
	vm6 =	vgt.f32 v48, v33;
	v10 =	vsel vm5, v3, v31  }
0xdc: {  	v19 =	vmin.f32 v48, v33;
	v31 =	vmax.f32 v45, v16;
	v16 =	vmin.f32 v55, v62  }
0xdd: {  	v9 =	vsel vm6, v0, v30;
	v0 =	vsel vm6, v30, v0;
	vm7 =	vgt.f32 v19, v32  }
0xde: {  	v50 =	vmin.f32 v19, v32;
	v30 =	vmax.f32 v46, v28;
	v28 =	vmax.f32 v47, v18  }
0xdf: {  	v8 =	vsel vm7, v0, v61;
	v0 =	vsel vm7, v61, v0;
	vm8 =	vgt.f32 v50, v35  }
0xe0: {  	v18 =	vmax.f32 v54, v43;
	v7 =	vsel vm8, v0, v1;
	v0 =	vnsel vm9, s31, v38  }
0xe1: {  	vm15 =	vgt.f32 v16, v2;
	v16 =	vmax.f32 v16, v2;
	v1 =	vsel vm10, v5, v0  }
0xe2: {  	v24 =	vmax.f32 v50, v35;
	v6 =	vsel vm10, v0, v5;
	v0 =	vsel vm2, v27, v1  }
0xe3: {  	p0 =	slt.u32 s21, $0x38;
	v5 =	vsel vm2, v1, v27;
	v27 =	vmax.f32 v17, v20;
	v20 =	vmax.f32 v52, v41  }
.Ltmp0:
0xe4: {  	v17 =	vmax.f32 v55, v62;
	v4 =	vsel vm11, v0, v25;
	v0 =	vsel vm11, v25, v0;
	(pc) =	sbr.rel @p0 .LBB2_3-.Ltmp0, $4  }
0xe5: {  	v25 =	vmax.f32 v19, v32;
	v19 =	vmax.f32 v53, v42;
	v1 =	vsel vm12, v23, v0  }
0xe6: {  	v3 =	vsel vm12, v0, v23;
	v23 =	vsel vm13, v22, v1;
	v1 =	vsel vm13, v1, v22  }
0xe7: {  	v22 =	vmax.f32 v51, v40;
	v0 =	vsel vm14, v23, v26;
	v56 =	vsel vm14, v26, v23  }
0xe8: {  	s21 =	sadd.s32 $0x8, s21;
	s20 =	sadd.s32 $0x800, s20;
	v26 =	vmax.f32 v48, v33;
	v23 =	vmax.f32 v63, v39;
	v2 =	vsel vm15, v56, v44  }
0xe9: {  	v32 =	vsub.f32 v29, v29  }
0xea: {  	v31 =	vsub.f32 v31, v29  }
0xeb: {  	v32 =	vmul.f32 $1.442695020e+00, v32  }
0xec: {  	v30 =	vsub.f32 v30, v29;
	v31 =	vmul.f32 $1.442695020e+00, v31  }
0xed: {  	(erf) = vpow2.f32 v32  }
0xee: {  	v28 =	vsub.f32 v28, v29;
	v30 =	vmul.f32 $1.442695020e+00, v30;
	(erf) = vpow2.f32 v31;
	_ =	sdelay $0x1  }
0xef: {  	v27 =	vsub.f32 v27, v29;
	v28 =	vmul.f32 $1.442695020e+00, v28;
	(erf) = vpow2.f32 v30;
	_ =	sdelay $0x1  }
0xf0: {  	v26 =	vsub.f32 v26, v29;
	v27 =	vmul.f32 $1.442695020e+00, v27;
	(erf) = vpow2.f32 v28;
	_ =	sdelay $0x1  }
0xf1: {  	v25 =	vsub.f32 v25, v29;
	v26 =	vmul.f32 $1.442695020e+00, v26;
	(erf) = vpow2.f32 v27;
	_ =	sdelay $0x1  }
0xf2: {  	v24 =	vsub.f32 v24, v29;
	v25 =	vmul.f32 $1.442695020e+00, v25;
	v54 =	vpop (erf);
	(erf) = vpow2.f32 v26  }
0xf3: {  	v55 =	vpop (erf)  }
0xf4: {  	v24 =	vmul.f32 $1.442695020e+00, v24;
	(erf) = vpow2.f32 v25;
	v56 =	vadd.f32 v55, v54  }
0xf5: {  	v57 =	vpop (erf)  }
0xf6: {  	(erf) = vpow2.f32 v24;
	v58 =	vadd.f32 v57, v56  }
0xf7: {  	v59 =	vpop (erf)  }
0xf8: {  	v24 =	vadd.f32 v59, v58  }
0xf9: {  	v60 =	vpop (erf)  }
0xfa: {  	v24 =	vadd.f32 v60, v24  }
0xfb: {  	v61 =	vpop (erf)  }
0xfc: {  	v24 =	vadd.f32 v61, v24  }
0xfd: {  	v62 =	vpop (erf)  }
0xfe: {  	v24 =	vadd.f32 v62, v24  }
0xff: {  	v33 =	vsub.f32 v21, v21;
	v63 =	vpop (erf)  }
0x100: {  	v23 =	vsub.f32 v23, v21;
	v24 =	vadd.f32 v63, v24  }
0x101: {  	v33 =	vmul.f32 $1.442695020e+00, v33  }
0x102: {  	v22 =	vsub.f32 v22, v21;
	v23 =	vmul.f32 $1.442695020e+00, v23;
	(erf) = vrcp.f32 v24  }
0x103: {  	(erf) = vpow2.f32 v33  }
0x104: {  	v20 =	vsub.f32 v20, v21;
	v22 =	vmul.f32 $1.442695020e+00, v22;
	(erf) = vpow2.f32 v23;
	_ =	sdelay $0x1  }
0x105: {  	v19 =	vsub.f32 v19, v21;
	v20 =	vmul.f32 $1.442695020e+00, v20;
	(erf) = vpow2.f32 v22;
	_ =	sdelay $0x1  }
0x106: {  	v18 =	vsub.f32 v18, v21;
	v19 =	vmul.f32 $1.442695020e+00, v19;
	(erf) = vpow2.f32 v20;
	_ =	sdelay $0x1  }
0x107: {  	v17 =	vsub.f32 v17, v21;
	v18 =	vmul.f32 $1.442695020e+00, v18;
	(erf) = vpow2.f32 v19  }
0x108: {  	v36 =	vpop (erf)  }
0x109: {  	v16 =	vsub.f32 v16, v21;
	v17 =	vmul.f32 $1.442695020e+00, v17;
	(erf) = vpow2.f32 v18;
	v37 =	vpop (erf)  }
0x10a: {  	v38 =	vpop (erf)  }
0x10b: {  	v16 =	vmul.f32 $1.442695020e+00, v16;
	(erf) = vpow2.f32 v17;
	v39 =	vadd.f32 v38, v37  }
0x10c: {  	v40 =	vpop (erf)  }
0x10d: {  	(erf) = vpow2.f32 v16;
	v41 =	vadd.f32 v40, v39  }
0x10e: {  	v42 =	vpop (erf)  }
0x10f: {  	v16 =	vadd.f32 v42, v41  }
0x110: {  	v43 =	vpop (erf)  }
0x111: {  	v16 =	vadd.f32 v43, v16  }
0x112: {  	v44 =	vpop (erf)  }
0x113: {  	s20 =	sor.u32 s18, s17;
	v45 =	vmul.f32 v36, v54;
	v16 =	vadd.f32 v44, v16  }
0x114: {  	s21 =	sor.u32 s19, s17;
	[tilespmem:s20+$0x4800] =	vst v15;
	v47 =	vmul.f32 v36, v55;
	v46 =	vpop (erf)  }
0x115: {  	s22 =	sor.u32 $0x80, s21;
	[tilespmem:s20+$0x4000] =	vst v45;
	v16 =	vadd.f32 v46, v16  }
0x116: {  	v49 =	vmul.f32 v36, v57;
	[tilespmem:s22+$0x4000] =	vst v47;
	v48 =	vpop (erf)  }
0x117: {  	s30 =	sor.u32 $0x4100, s20;
	[tilespmem:s22+$0x4800] =	vst v14;
	v16 =	vadd.f32 v48, v16  }
0x118: {  	s31 =	sor.u32 $0x4900, s20;
	v50 =	vmul.f32 v36, v59;
	[tilespmem:s30+$0x0] =	vst v49  }
0x119: {  	s23 =	sor.u32 $0x180, s21;
	[tilespmem:s31+$0x0] =	vst v13;
	(erf) = vrcp.f32 v16  }
0x11a: {  	v51 =	vmul.f32 v36, v60;
	[tilespmem:s23+$0x4000] =	vst v50  }
0x11b: {  	s24 =	sor.u32 $0x4200, s20;
	[tilespmem:s23+$0x4800] =	vst v11  }
0x11c: {  	v52 =	vmul.f32 v36, v61;
	s20 =	sor.u32 $0x4A00, s20;
	[tilespmem:s24+$0x0] =	vst v51  }
0x11d: {  	s25 =	sor.u32 $0x280, s21;
	[tilespmem:s20+$0x0] =	vst v10  }
0x11e: {  	s26 =	sor.u32 s18, s16;
	v53 =	vmul.f32 v36, v62;
	[tilespmem:s25+$0x4000] =	vst v52  }
0x11f: {  	s28 =	sor.u32 $0x300, s26;
	[tilespmem:s25+$0x4800] =	vst v9  }
0x120: {  	s29 =	sor.u32 s16, s19;
	v54 =	vmul.f32 v36, v63;
	[tilespmem:s28+$0x4000] =	vst v53  }
0x121: {  	s19 =	sor.u32 $0x380, s29;
	[tilespmem:s28+$0x4800] =	vst v8  }
0x122: {  	s30 =	sor.u32 $0x10, s18;
	[tilespmem:s19+$0x4000] =	vst v54;
	v55 =	vpop (erf)  }
0x123: {  	s31 =	sor.u32 s17, s30;
	[tilespmem:s19+$0x4800] =	vst v7;
	v56 =	vmul.f32 v55, v37  }
0x124: {  	[tilespmem:s31+$0x4800] =	vst v12;
	v57 =	vmul.f32 v55, v38  }
0x125: {  	s20 =	sor.u32 $0x4080, s31;
	[tilespmem:s31+$0x4000] =	vst v56  }
0x126: {  	s21 =	sor.u32 $0x4880, s31;
	v58 =	vmul.f32 v55, v40;
	[tilespmem:s20+$0x0] =	vst v57  }
0x127: {  	s22 =	sor.u32 $0x4100, s31;
	[tilespmem:s21+$0x0] =	vst v6  }
0x128: {  	s23 =	sor.u32 $0x4900, s31;
	v59 =	vmul.f32 v55, v42;
	[tilespmem:s22+$0x0] =	vst v58  }
0x129: {  	s24 =	sor.u32 $0x4180, s31;
	[tilespmem:s23+$0x0] =	vst v5  }
0x12a: {  	s25 =	sor.u32 $0x4980, s31;
	v60 =	vmul.f32 v55, v43;
	[tilespmem:s24+$0x0] =	vst v59  }
0x12b: {  	s26 =	sor.u32 $0x4200, s31;
	[tilespmem:s25+$0x0] =	vst v4  }
0x12c: {  	s28 =	sor.u32 $0x4A00, s31;
	v61 =	vmul.f32 v55, v44;
	[tilespmem:s26+$0x0] =	vst v60  }
0x12d: {  	s15 =	sadd.s32 $0x1, s15;
	s29 =	sor.u32 $0x4280, s31;
	[tilespmem:s28+$0x0] =	vst v3  }
0x12e: {  	p0 =	sne.s32 s15, $0x8;
	s30 =	sor.u32 s16, s30;
	s17 =	sor.u32 $0x4A80, s31;
	v62 =	vmul.f32 v55, v46;
	[tilespmem:s29+$0x0] =	vst v61  }
.Ltmp1:
0x12f: {  	s31 =	sor.u32 $0x300, s30;
	[tilespmem:s17+$0x0] =	vst v1;
	(pc) =	sbr.rel @p0 .LBB2_2-.Ltmp1, $4  }
0x130: {  	v63 =	vmul.f32 v55, v48;
	[tilespmem:s31+$0x4000] =	vst v62  }
0x131: {  	s16 =	sor.u32 $0x380, s30;
	[tilespmem:s31+$0x4800] =	vst v0  }
0x132: {  	[tilespmem:s16+$0x4000] =	vst v63  }
0x133: {  	s14 =	sadd.s32 $0x100, s14;
	s13 =	sadd.s32 $0x1, s13;
	[tilespmem:s16+$0x4800] =	vst v2  }
0x134: {  	[hbm4b:s4+s2] =	stream.linear.scatter [tilespmem:s10], [sflag:$0x1], $0x800, $0x38;
	[tilespmem:$0x5000] =	vst v63  }
0x135: {  	s12 =	sadd.s32 $0x1, s12;
	_ =	swait.ge [sflag:s9], $0x800  }
0x136: {  	p0 =	sne.s32 s12, s6;
	[sflag:s9] =	ssyncset.done $0x0  }
.Ltmp2:
0x137: {  	[sflag:s9] =	ssyncadd.s32 $0xFFFFF800;
	(pc) =	sbr.rel @p0 .LBB2_1-.Ltmp2, $4  }
0x138: {  	[hbm4b:s5+s2] =	stream.linear.scatter [tilespmem:s11], [sflag:$0x1], $0x800, $0x38;
	[tilespmem:$0x5000] =	vst v63  }
0x139: {  	_ =	swait.ge [sflag:s9], $0x800  }
0x13a: {  	[sflag:s9] =	ssyncset.done $0x0  }
0x13b: {  	[sflag:s9] =	ssyncadd.s32 $0xFFFFF800  }
0x13c: {  	_ =	sfence.sel $0x180000  }
0x13d: {  	[bflag:$0x0] =	sbarrier.arrive $0xFFFF  }
0x13e: {  	p0 =	sne.s32 s1, $0x0;
	_ =	strace $0x90000047  }
0x13f: {  	s0 =	sadd.s32 @!p0 $0x100000, s0;
	[bflag:$0x2] =	sbarrier.arrive $0xFFFF  }
0x140: {  	[sflag:s0] =	ssyncadd.tile.s32 @!p0 $0x1;
	_ =	shalt  }
.Lfunc_end2:
_tile_overlayer_lowered:
.L_overlay_start_2:
0x141: {  	(tag) =	ssettag $0x2  }
0x142: {  	s0 =	rddreg [dreg:$0x0];
	s2 =	stileid.u32  }
0x143: {  	s1 =	rddreg [dreg:$0x1];
	p0 =	sne.s32 s2, $0x0  }
0x144: {  	s3 =	rddreg [dreg:$0x2];
	[bflag:$0x3] =	sbarrier.arrive $0xFFFF;
	s2 =	simm.s32 @!p0 $0x1C01  }
0x145: {  	[timem:s3], [sflag:s2] =	dma.local @!p0 [hbm:s0], s1  }
0x146: {  	s0 =	simm.s32 @!p0 $0x1  }
0x147: {  	_ =	swait.ge @!p0 [sflag:s0], s1  }
0x148: {  	s1 =	ssub.s32 @!p0 $0x0, s1;
	[sflag:s0] =	ssyncset.done @!p0 $0x0  }
0x149: {  	[sflag:s0] =	ssyncadd.s32 @!p0 s1  }
0x14a: {  	[bflag:$0x3] =	sbarrier.arrive $0xFFFF  }
0x14b: {  	_ =	shalt  }

</sc_bundles>
